<compile_context>
chip_gen: v7x
topology: tpu7x:2x2x1
jax: 0.10.2.dev20260603
libtpu: 0.0.44.dev20260713+nightly
codegen_flags: <defaults>
</compile_context>

<pallas_src>
import functools
import jax
import jax.numpy as jnp
from jax import lax
from jax.experimental import pallas as pl
from jax.experimental.pallas import tpu as pltpu
from jax.experimental.pallas import tpu_sc as plsc

NEG_SLOPE = 0.3
NC, NS = 2, 16
NW = NC * NS
CHUNK = 80
DEPTH = 6
AHEAD = 3
L = 16


def _matmul_body(x_ref, w_ref, ab_ref):
    c_in = x_ref.shape[1]
    c_out = w_ref.shape[0]
    w = w_ref[...]
    w_loc, w_nb = w[:, :c_in], w[:, c_in:]
    w_cat = jnp.concatenate([w_loc - w_nb, w_nb], axis=0)
    y = lax.dot_general(x_ref[...], w_cat, (((1,), (1,)), ((), ())),
                        preferred_element_type=jnp.float32)
    n_rows = y.shape[0]
    fill0 = jnp.zeros((n_rows, c_out), jnp.float32)
    fill1 = jnp.ones((n_rows, c_out), jnp.float32)
    ab_ref[0] = jnp.concatenate([y[:, :c_out], fill0], axis=1).astype(jnp.bfloat16)
    ab_ref[1] = jnp.concatenate([y[:, c_out:], fill1], axis=1).astype(jnp.bfloat16)


def _edge_body(ab_hbm, src_hbm, dst_hbm,
               s_out,
               s_sp,
               src_v, dst_v, buf_v, z32_v,
               gsem, ssem,
               *, n_pad, n_chunks):
    rows_per_tile = n_pad // NS
    zc = 128
    nz = rows_per_tile // zc
    c = lax.axis_index("c")
    s = lax.axis_index("s")
    wid = c * NS + s
    base = s * rows_per_tile
    sl = pl.ds(base, rows_per_tile)
    b_hbm = ab_hbm.at[1]

    pltpu.async_copy(src_hbm.at[wid], src_v, gsem.at[0])
    pltpu.async_copy(dst_hbm.at[wid], dst_v, gsem.at[1])

    def fill(i, carry):
        z32_v[i, pl.ds(0, 2 * L)] = jnp.zeros((2 * L,), jnp.bfloat16)
        z32_v[i, pl.ds(2 * L, 2 * L)] = jnp.zeros((2 * L,), jnp.bfloat16)
        return carry
    lax.fori_loop(0, zc, fill, 0)

    for k in range(nz):
        pltpu.async_copy(z32_v, s_sp.at[pl.ds(base + k * zc, zc)],
                         ssem.at[0])
    for k in range(nz):
        pltpu.make_async_copy(z32_v, s_sp.at[pl.ds(base, zc)],
                              ssem.at[0]).wait()
    pltpu.make_async_copy(src_hbm.at[wid], src_v, gsem.at[0]).wait()
    pltpu.make_async_copy(dst_hbm.at[wid], dst_v, gsem.at[1]).wait()
    plsc.subcore_barrier()

    def fire_gather(j, slot):
        pltpu.async_copy(b_hbm.at[src_v.at[j]], buf_v.at[slot], gsem.at[slot])

    def wait_gather(j, slot):
        pltpu.make_async_copy(b_hbm.at[src_v.at[j]], buf_v.at[slot],
                              gsem.at[slot]).wait()

    def fire_scatters(j, slot):
        pltpu.async_copy(buf_v.at[slot], s_sp.at[dst_v.at[j]], ssem.at[slot],
                         add=True)

    def wait_scatter(j, slot):
        pltpu.make_async_copy(buf_v.at[slot], s_sp.at[dst_v.at[j]],
                              ssem.at[slot]).wait()

    for j in range(AHEAD):
        fire_gather(j, j % DEPTH)
    for j in range(AHEAD):
        wait_gather(j, j % DEPTH)
        fire_gather(j + AHEAD, (j + AHEAD) % DEPTH)
        fire_scatters(j, j % DEPTH)

    def body(j, carry):
        sg = lax.rem(j + AHEAD, DEPTH)
        wait_scatter(j - AHEAD, sg)
        fire_gather(j + AHEAD, sg)
        slot = lax.rem(j, DEPTH)
        wait_gather(j, slot)
        fire_scatters(j, slot)
        return carry

    lax.fori_loop(AHEAD, n_chunks - AHEAD, body, 0)

    for j in range(n_chunks - AHEAD, n_chunks):
        wait_scatter(j - AHEAD, (j + AHEAD) % DEPTH)
        wait_gather(j, j % DEPTH)
        fire_scatters(j, j % DEPTH)

    for j in range(n_chunks - AHEAD, n_chunks):
        wait_scatter(j, j % DEPTH)

    plsc.subcore_barrier()

    pltpu.sync_copy(s_sp.at[sl], s_out.at[c, sl])


def _final_body(ab_hbm, bias_hbm, s_hbm, out_hbm,
                a_v, s0_v, s1_v, bias_v, out_v, fsem,
                *, n, c_out):
    rows = a_v.shape[0]
    c = lax.axis_index("c")
    s = lax.axis_index("s")
    wid = c * NS + s
    base = jnp.minimum(wid * rows, n - rows)
    sl = pl.ds(base, rows)

    pltpu.async_copy(ab_hbm.at[0, sl], a_v, fsem.at[0])
    pltpu.async_copy(s_hbm.at[0, sl], s0_v, fsem.at[1])
    pltpu.async_copy(s_hbm.at[1, sl], s1_v, fsem.at[2])
    pltpu.async_copy(bias_hbm, bias_v, fsem.at[3])
    pltpu.make_async_copy(ab_hbm.at[0, sl], a_v, fsem.at[0]).wait()
    pltpu.make_async_copy(s_hbm.at[0, sl], s0_v, fsem.at[1]).wait()
    pltpu.make_async_copy(s_hbm.at[1, sl], s1_v, fsem.at[2]).wait()
    pltpu.make_async_copy(bias_hbm, bias_v, fsem.at[3]).wait()

    zero_b = jnp.zeros((2 * L,), jnp.bfloat16)
    one_b = jnp.ones((2 * L,), jnp.bfloat16)
    slope_b = jnp.full((2 * L,), NEG_SLOPE, jnp.bfloat16)
    half = pl.ds(0, 2 * L)

    def row_block(r, carry):
        a_row = a_v[r, half] + bias_v[...]
        s_row = s0_v[r, half] + s1_v[r, half]
        cnt = s0_v[r, pl.ds(2 * L, 2 * L)] + s1_v[r, pl.ds(2 * L, 2 * L)]
        inv_b = one_b / jnp.maximum(cnt, one_b)
        msk_b = jnp.minimum(cnt, one_b)
        pre = a_row * msk_b + s_row * inv_b
        out_v[r, :] = (jnp.maximum(pre, zero_b)
                       + slope_b * jnp.minimum(pre, zero_b))
        return carry

    lax.fori_loop(0, rows, row_block, 0)
    pltpu.sync_copy(out_v, out_hbm.at[sl])


def kernel(features, neighborhood_source, neighborhood_target, W, b):
    n, c_in = features.shape
    e = neighborhood_source.shape[0]
    c_out = W.shape[0]

    n_pad = ((n + NW * 8 - 1) // (NW * 8)) * (NW * 8)
    rows_f = n_pad // NW
    assert e % (NW * CHUNK) == 0
    n_chunks = e // (NW * CHUNK)

    src_r = neighborhood_source.reshape(NW, n_chunks, CHUNK)
    dst_r = neighborhood_target.reshape(NW, n_chunks, CHUNK)

    ab = pl.pallas_call(
        _matmul_body,
        out_shape=jax.ShapeDtypeStruct((2, n, 2 * c_out), jnp.bfloat16),
    )(features, W)

    mesh = plsc.VectorSubcoreMesh(core_axis_name="c", subcore_axis_name="s",
                                  num_cores=NC, num_subcores=NS)
    edge_kernel = pl.kernel(
        functools.partial(_edge_body, n_pad=n_pad, n_chunks=n_chunks),
        out_type=jax.ShapeDtypeStruct((NC, n_pad, 2 * c_out), jnp.bfloat16),
        mesh=mesh,
        scratch_types=[
            pltpu.VMEM_SHARED((n_pad, 2 * c_out), jnp.bfloat16),
            pltpu.VMEM((n_chunks, CHUNK), jnp.int32),
            pltpu.VMEM((n_chunks, CHUNK), jnp.int32),
            pltpu.VMEM((DEPTH, CHUNK, 2 * c_out), jnp.bfloat16),
            pltpu.VMEM((128, 2 * c_out), jnp.bfloat16),
            pltpu.SemaphoreType.DMA((DEPTH,)),
            pltpu.SemaphoreType.DMA((DEPTH,)),
        ],
        compiler_params=pltpu.CompilerParams(use_tc_tiling_on_sc=False,
                                             needs_layout_passes=False),
    )
    s_part = edge_kernel(ab, src_r, dst_r)

    final_kernel = pl.kernel(
        functools.partial(_final_body, n=n, c_out=c_out),
        out_type=jax.ShapeDtypeStruct((n, c_out), jnp.bfloat16),
        mesh=plsc.VectorSubcoreMesh(core_axis_name="c", subcore_axis_name="s",
                                    num_cores=NC, num_subcores=NS),
        scratch_types=[
            pltpu.VMEM((rows_f, 2 * c_out), jnp.bfloat16),
            pltpu.VMEM((rows_f, 2 * c_out), jnp.bfloat16),
            pltpu.VMEM((rows_f, 2 * c_out), jnp.bfloat16),
            pltpu.VMEM((c_out,), jnp.bfloat16),
            pltpu.VMEM((rows_f, c_out), jnp.bfloat16),
            pltpu.SemaphoreType.DMA((4,)),
        ],
        compiler_params=pltpu.CompilerParams(use_tc_tiling_on_sc=False,
                                             needs_layout_passes=False),
    )
    out_bf = final_kernel(ab, b.astype(jnp.bfloat16), s_part)
    return out_bf.astype(jnp.float32)

# --- scband reference (transcript-rebuilt; emitter-appended) ---
"""Pipeline reference for scband-edge-unet-17609365914510 (READ-ONLY COPY).

The authoritative reference and input builder live on the scoring server;
editing this copy changes nothing except your own understanding.
"""

import jax, jax.numpy as jnp
import numpy as np

N_VERTICES = 10000
N_EDGES = 320000
C_IN = 128
C_OUT = 32
NEG_SLOPE = 0.3


def setup_inputs(seed: int = 0) -> dict:
    key = jax.random.key(seed)
    k1, k2, k3, k4 = jax.random.split(key, 4)
    features = jax.random.normal(k1, (N_VERTICES, C_IN), dtype=jnp.float32)
    neighborhood_source = jax.random.randint(k2, (N_EDGES,), 0, N_VERTICES, dtype=jnp.int32)
    neighborhood_target = jax.random.randint(k3, (N_EDGES,), 0, N_VERTICES, dtype=jnp.int32)
    # Conv1d(kernel_size=1) on (2*C_IN -> C_OUT) is equivalent to a dense matmul.
    W = jax.random.normal(k4, (C_OUT, 2 * C_IN), dtype=jnp.float32) * 0.05
    b = jnp.zeros((C_OUT,), dtype=jnp.float32)
    return {
        "features": features,
        "neighborhood_source": neighborhood_source,
        "neighborhood_target": neighborhood_target,
        "W": W,
        "b": b,
    }


def reference(features, neighborhood_source, neighborhood_target, W, b):
    # EdgeUNet with channels=([[32]], []) is a single-level encoder: one EdgeConv
    # followed by LeakyReLU(0.3); no pooling / decoder stages are instantiated.
    # EdgeConv forward:
    neighbors = jnp.take(features, neighborhood_source, axis=0)   # gather [E, C_IN]
    local = jnp.take(features, neighborhood_target, axis=0)       # gather [E, C_IN]
    x = jnp.concatenate([local, neighbors - local], axis=-1)      # [E, 2*C_IN]
    # Conv1d(k=1) over the edge axis == per-edge linear layer
    y = x @ W.T + b                                               # [E, C_OUT]
    # scatter_reduce(reduce='mean', include_self=False) onto zeros[N, C_OUT]
    sums = jax.ops.segment_sum(y, neighborhood_target, num_segments=N_VERTICES)
    counts = jax.ops.segment_sum(
        jnp.ones((y.shape[0],), dtype=y.dtype), neighborhood_target, num_segments=N_VERTICES
    )
    reduced = sums / jnp.maximum(counts, 1.0)[:, None]            # vertices with no edges stay 0
    # default activation: LeakyReLU(negative_slope=0.3)
    out = jnp.where(reduced >= 0, reduced, NEG_SLOPE * reduced)
    return out

if __name__ == "__main__":
    import jax
    _d = setup_inputs()
    print(jax.jit(kernel)(*tuple(_d.values())))

</pallas_src>

<mosaic_0001>
#map = affine_map<(d0, d1) -> (0, 0, 0)>
module attributes {stable_mosaic.version = 14 : i64} {
  func.func @_edge_body(%arg0: i32, %arg1: i32, %arg2: memref<2x10000x64xbf16, #tpu.memory_space<hbm>>, %arg3: memref<32x125x80xi32, #tpu.memory_space<hbm>>, %arg4: memref<32x125x80xi32, #tpu.memory_space<hbm>>, %arg5: memref<2x10240x64xbf16, #tpu.memory_space<hbm>>, %arg6: memref<10240x64xbf16, #tpu.memory_space<vmem_shared>>, %arg7: memref<125x80xi32, #tpu.memory_space<vmem>>, %arg8: memref<125x80xi32, #tpu.memory_space<vmem>>, %arg9: memref<6x80x64xbf16, #tpu.memory_space<vmem>>, %arg10: memref<128x64xbf16, #tpu.memory_space<vmem>>, %arg11: memref<6x!tpu.dma_semaphore, #tpu.memory_space<semaphore_mem>>, %arg12: memref<6x!tpu.dma_semaphore, #tpu.memory_space<semaphore_mem>>) attributes {dimension_semantics = [#tpu.dimension_semantics<core_parallel>, #tpu.dimension_semantics<subcore_parallel>], iteration_bounds = array<i64: 2, 16>, scalar_prefetch = 0 : i64, scratch_operands = 7 : i64, tpu.core_type = #tpu.core_type<sc_vector_subcore>, window_params = [{transform_indices = #map}, {transform_indices = #map}, {transform_indices = #map}, {transform_indices = #map}]} {
    %mul3A = arith.constant 16 : i32
    %mul3A_0 = arith.muli %arg0, %mul3A : i32
    %add3A = arith.addi %mul3A_0, %arg1 : i32
    %mul3A_1 = arith.constant 640 : i32
    %mul3A_2 = arith.muli %arg1, %mul3A_1 : i32
    %dma_start3A = arith.constant 0 : i32
    %dma_start3A_3 = arith.constant 0 : i32
    %dma_start3A_4 = arith.constant 0 : i32
    %dma_start3A_5 = tpu.memref_slice %arg3[%add3A, %dma_start3A_3, %dma_start3A_4] : memref<32x125x80xi32, #tpu.memory_space<hbm>> -> memref<1x125x80xi32, #tpu.memory_space<hbm>>
    %dma_start3A_6 = tpu.memref_squeeze %dma_start3A_5 : memref<1x125x80xi32, #tpu.memory_space<hbm>> -> memref<125x80xi32, #tpu.memory_space<hbm>>
    %dma_start3A_7 = tpu.memref_slice %arg11[%dma_start3A] : memref<6x!tpu.dma_semaphore, #tpu.memory_space<semaphore_mem>> -> memref<1x!tpu.dma_semaphore, #tpu.memory_space<semaphore_mem>>
    %dma_start3A_8 = tpu.memref_squeeze %dma_start3A_7 : memref<1x!tpu.dma_semaphore, #tpu.memory_space<semaphore_mem>> -> memref<!tpu.dma_semaphore, #tpu.memory_space<semaphore_mem>>
    %dma_start3A_9 = arith.constant 0 : i32
    %dma_start3A_10 = arith.constant 0 : i32
    %dma_start3A_11 = tpu.memref_slice %arg3[%add3A, %dma_start3A_9, %dma_start3A_10] : memref<32x125x80xi32, #tpu.memory_space<hbm>> -> memref<1x125x80xi32, #tpu.memory_space<hbm>>
    %dma_start3A_12 = tpu.memref_squeeze %dma_start3A_11 : memref<1x125x80xi32, #tpu.memory_space<hbm>> -> memref<125x80xi32, #tpu.memory_space<hbm>>
    tpu.enqueue_dma source(%dma_start3A_12 : memref<125x80xi32, #tpu.memory_space<hbm>>) target(%arg7 : memref<125x80xi32, #tpu.memory_space<vmem>>) target_semaphore(%dma_start3A_8 : memref<!tpu.dma_semaphore, #tpu.memory_space<semaphore_mem>>)
    %dma_start3A_13 = arith.constant 1 : i32
    %dma_start3A_14 = arith.constant 0 : i32
    %dma_start3A_15 = arith.constant 0 : i32
    %dma_start3A_16 = tpu.memref_slice %arg4[%add3A, %dma_start3A_14, %dma_start3A_15] : memref<32x125x80xi32, #tpu.memory_space<hbm>> -> memref<1x125x80xi32, #tpu.memory_space<hbm>>
    %dma_start3A_17 = tpu.memref_squeeze %dma_start3A_16 : memref<1x125x80xi32, #tpu.memory_space<hbm>> -> memref<125x80xi32, #tpu.memory_space<hbm>>
    %dma_start3A_18 = tpu.memref_slice %arg11[%dma_start3A_13] : memref<6x!tpu.dma_semaphore, #tpu.memory_space<semaphore_mem>> -> memref<1x!tpu.dma_semaphore, #tpu.memory_space<semaphore_mem>>
    %dma_start3A_19 = tpu.memref_squeeze %dma_start3A_18 : memref<1x!tpu.dma_semaphore, #tpu.memory_space<semaphore_mem>> -> memref<!tpu.dma_semaphore, #tpu.memory_space<semaphore_mem>>
    %dma_start3A_20 = arith.constant 0 : i32
    %dma_start3A_21 = arith.constant 0 : i32
    %dma_start3A_22 = tpu.memref_slice %arg4[%add3A, %dma_start3A_20, %dma_start3A_21] : memref<32x125x80xi32, #tpu.memory_space<hbm>> -> memref<1x125x80xi32, #tpu.memory_space<hbm>>
    %dma_start3A_23 = tpu.memref_squeeze %dma_start3A_22 : memref<1x125x80xi32, #tpu.memory_space<hbm>> -> memref<125x80xi32, #tpu.memory_space<hbm>>
    tpu.enqueue_dma source(%dma_start3A_23 : memref<125x80xi32, #tpu.memory_space<hbm>>) target(%arg8 : memref<125x80xi32, #tpu.memory_space<vmem>>) target_semaphore(%dma_start3A_19 : memref<!tpu.dma_semaphore, #tpu.memory_space<semaphore_mem>>)
    %scan3A = arith.constant 0 : i32
    %scan3A_24 = arith.constant 0 : i32
    %scan3A_25 = arith.constant 128 : i32
    %scan3A_26 = arith.addi %scan3A_24, %scan3A_25 : i32
    %scan3A_27 = arith.constant 1 : i32
    scf.for %scan3A_558 = %scan3A_24 to %scan3A_26 step %scan3A_27  : i32 {
      %broadcast_in_dim3A = arith.constant 0.000000e+00 : bf16
      %broadcast_in_dim3A_559 = vector.broadcast %broadcast_in_dim3A : bf16 to vector<32xbf16>
      %swap3A = arith.index_cast %scan3A_558 : i32 to index
      %swap3A_560 = arith.constant 0 : index
      %swap3A_561 = tpu.vector_load %arg10[%swap3A, %swap3A_560] {strides = array<i32>} : memref<128x64xbf16, #tpu.memory_space<vmem>>, vector<32xbf16>,
      tpu.vector_store %arg10[%swap3A, %swap3A_560], %broadcast_in_dim3A_559 {strides = array<i32>} : memref<128x64xbf16, #tpu.memory_space<vmem>>, vector<32xbf16>,
      %broadcast_in_dim3A_562 = arith.constant 0.000000e+00 : bf16
      %broadcast_in_dim3A_563 = vector.broadcast %broadcast_in_dim3A_562 : bf16 to vector<32xbf16>
      %swap3A_564 = arith.index_cast %scan3A_558 : i32 to index
      %swap3A_565 = arith.constant 32 : index
      %swap3A_566 = tpu.vector_load %arg10[%swap3A_564, %swap3A_565] {strides = array<i32>} : memref<128x64xbf16, #tpu.memory_space<vmem>>, vector<32xbf16>,
      tpu.vector_store %arg10[%swap3A_564, %swap3A_565], %broadcast_in_dim3A_563 {strides = array<i32>} : memref<128x64xbf16, #tpu.memory_space<vmem>>, vector<32xbf16>,
    }
    %scan3A_28 = arith.constant 128 : i32
    %add3A_29 = arith.constant 0 : i32
    %add3A_30 = arith.addi %mul3A_2, %add3A_29 : i32
    %dma_start3A_31 = arith.constant 0 : i32
    %dma_start3A_32 = arith.constant 0 : i32
    %dma_start3A_33 = tpu.memref_slice %arg6[%add3A_30, %dma_start3A_32] : memref<10240x64xbf16, #tpu.memory_space<vmem_shared>> -> memref<128x64xbf16, #tpu.memory_space<vmem_shared>>
    %dma_start3A_34 = tpu.memref_slice %arg12[%dma_start3A_31] : memref<6x!tpu.dma_semaphore, #tpu.memory_space<semaphore_mem>> -> memref<1x!tpu.dma_semaphore, #tpu.memory_space<semaphore_mem>>
    %dma_start3A_35 = tpu.memref_squeeze %dma_start3A_34 : memref<1x!tpu.dma_semaphore, #tpu.memory_space<semaphore_mem>> -> memref<!tpu.dma_semaphore, #tpu.memory_space<semaphore_mem>>
    %dma_start3A_36 = arith.constant 0 : i32
    %dma_start3A_37 = tpu.memref_slice %arg6[%add3A_30, %dma_start3A_36] : memref<10240x64xbf16, #tpu.memory_space<vmem_shared>> -> memref<128x64xbf16, #tpu.memory_space<vmem_shared>>
    tpu.enqueue_dma source(%arg10 : memref<128x64xbf16, #tpu.memory_space<vmem>>) target(%dma_start3A_37 : memref<128x64xbf16, #tpu.memory_space<vmem_shared>>) target_semaphore(%dma_start3A_35 : memref<!tpu.dma_semaphore, #tpu.memory_space<semaphore_mem>>)
    %add3A_38 = arith.constant 128 : i32
    %add3A_39 = arith.addi %mul3A_2, %add3A_38 : i32
    %dma_start3A_40 = arith.constant 0 : i32
    %dma_start3A_41 = arith.constant 0 : i32
    %dma_start3A_42 = tpu.memref_slice %arg6[%add3A_39, %dma_start3A_41] : memref<10240x64xbf16, #tpu.memory_space<vmem_shared>> -> memref<128x64xbf16, #tpu.memory_space<vmem_shared>>
    %dma_start3A_43 = tpu.memref_slice %arg12[%dma_start3A_40] : memref<6x!tpu.dma_semaphore, #tpu.memory_space<semaphore_mem>> -> memref<1x!tpu.dma_semaphore, #tpu.memory_space<semaphore_mem>>
    %dma_start3A_44 = tpu.memref_squeeze %dma_start3A_43 : memref<1x!tpu.dma_semaphore, #tpu.memory_space<semaphore_mem>> -> memref<!tpu.dma_semaphore, #tpu.memory_space<semaphore_mem>>
    %dma_start3A_45 = arith.constant 0 : i32
    %dma_start3A_46 = tpu.memref_slice %arg6[%add3A_39, %dma_start3A_45] : memref<10240x64xbf16, #tpu.memory_space<vmem_shared>> -> memref<128x64xbf16, #tpu.memory_space<vmem_shared>>
    tpu.enqueue_dma source(%arg10 : memref<128x64xbf16, #tpu.memory_space<vmem>>) target(%dma_start3A_46 : memref<128x64xbf16, #tpu.memory_space<vmem_shared>>) target_semaphore(%dma_start3A_44 : memref<!tpu.dma_semaphore, #tpu.memory_space<semaphore_mem>>)
    %add3A_47 = arith.constant 256 : i32
    %add3A_48 = arith.addi %mul3A_2, %add3A_47 : i32
    %dma_start3A_49 = arith.constant 0 : i32
    %dma_start3A_50 = arith.constant 0 : i32
    %dma_start3A_51 = tpu.memref_slice %arg6[%add3A_48, %dma_start3A_50] : memref<10240x64xbf16, #tpu.memory_space<vmem_shared>> -> memref<128x64xbf16, #tpu.memory_space<vmem_shared>>
    %dma_start3A_52 = tpu.memref_slice %arg12[%dma_start3A_49] : memref<6x!tpu.dma_semaphore, #tpu.memory_space<semaphore_mem>> -> memref<1x!tpu.dma_semaphore, #tpu.memory_space<semaphore_mem>>
    %dma_start3A_53 = tpu.memref_squeeze %dma_start3A_52 : memref<1x!tpu.dma_semaphore, #tpu.memory_space<semaphore_mem>> -> memref<!tpu.dma_semaphore, #tpu.memory_space<semaphore_mem>>
    %dma_start3A_54 = arith.constant 0 : i32
    %dma_start3A_55 = tpu.memref_slice %arg6[%add3A_48, %dma_start3A_54] : memref<10240x64xbf16, #tpu.memory_space<vmem_shared>> -> memref<128x64xbf16, #tpu.memory_space<vmem_shared>>
    tpu.enqueue_dma source(%arg10 : memref<128x64xbf16, #tpu.memory_space<vmem>>) target(%dma_start3A_55 : memref<128x64xbf16, #tpu.memory_space<vmem_shared>>) target_semaphore(%dma_start3A_53 : memref<!tpu.dma_semaphore, #tpu.memory_space<semaphore_mem>>)
    %add3A_56 = arith.constant 384 : i32
    %add3A_57 = arith.addi %mul3A_2, %add3A_56 : i32
    %dma_start3A_58 = arith.constant 0 : i32
    %dma_start3A_59 = arith.constant 0 : i32
    %dma_start3A_60 = tpu.memref_slice %arg6[%add3A_57, %dma_start3A_59] : memref<10240x64xbf16, #tpu.memory_space<vmem_shared>> -> memref<128x64xbf16, #tpu.memory_space<vmem_shared>>
    %dma_start3A_61 = tpu.memref_slice %arg12[%dma_start3A_58] : memref<6x!tpu.dma_semaphore, #tpu.memory_space<semaphore_mem>> -> memref<1x!tpu.dma_semaphore, #tpu.memory_space<semaphore_mem>>
    %dma_start3A_62 = tpu.memref_squeeze %dma_start3A_61 : memref<1x!tpu.dma_semaphore, #tpu.memory_space<semaphore_mem>> -> memref<!tpu.dma_semaphore, #tpu.memory_space<semaphore_mem>>
    %dma_start3A_63 = arith.constant 0 : i32
    %dma_start3A_64 = tpu.memref_slice %arg6[%add3A_57, %dma_start3A_63] : memref<10240x64xbf16, #tpu.memory_space<vmem_shared>> -> memref<128x64xbf16, #tpu.memory_space<vmem_shared>>
    tpu.enqueue_dma source(%arg10 : memref<128x64xbf16, #tpu.memory_space<vmem>>) target(%dma_start3A_64 : memref<128x64xbf16, #tpu.memory_space<vmem_shared>>) target_semaphore(%dma_start3A_62 : memref<!tpu.dma_semaphore, #tpu.memory_space<semaphore_mem>>)
    %add3A_65 = arith.constant 512 : i32
    %add3A_66 = arith.addi %mul3A_2, %add3A_65 : i32
    %dma_start3A_67 = arith.constant 0 : i32
    %dma_start3A_68 = arith.constant 0 : i32
    %dma_start3A_69 = tpu.memref_slice %arg6[%add3A_66, %dma_start3A_68] : memref<10240x64xbf16, #tpu.memory_space<vmem_shared>> -> memref<128x64xbf16, #tpu.memory_space<vmem_shared>>
    %dma_start3A_70 = tpu.memref_slice %arg12[%dma_start3A_67] : memref<6x!tpu.dma_semaphore, #tpu.memory_space<semaphore_mem>> -> memref<1x!tpu.dma_semaphore, #tpu.memory_space<semaphore_mem>>
    %dma_start3A_71 = tpu.memref_squeeze %dma_start3A_70 : memref<1x!tpu.dma_semaphore, #tpu.memory_space<semaphore_mem>> -> memref<!tpu.dma_semaphore, #tpu.memory_space<semaphore_mem>>
    %dma_start3A_72 = arith.constant 0 : i32
    %dma_start3A_73 = tpu.memref_slice %arg6[%add3A_66, %dma_start3A_72] : memref<10240x64xbf16, #tpu.memory_space<vmem_shared>> -> memref<128x64xbf16, #tpu.memory_space<vmem_shared>>
    tpu.enqueue_dma source(%arg10 : memref<128x64xbf16, #tpu.memory_space<vmem>>) target(%dma_start3A_73 : memref<128x64xbf16, #tpu.memory_space<vmem_shared>>) target_semaphore(%dma_start3A_71 : memref<!tpu.dma_semaphore, #tpu.memory_space<semaphore_mem>>)
    %dma_wait3A = arith.constant 0 : i32
    %dma_wait3A_74 = arith.constant 0 : i32
    %dma_wait3A_75 = tpu.memref_slice %arg6[%mul3A_2, %dma_wait3A_74] : memref<10240x64xbf16, #tpu.memory_space<vmem_shared>> -> memref<128x64xbf16, #tpu.memory_space<vmem_shared>>
    %dma_wait3A_76 = tpu.memref_slice %arg12[%dma_wait3A] : memref<6x!tpu.dma_semaphore, #tpu.memory_space<semaphore_mem>> -> memref<1x!tpu.dma_semaphore, #tpu.memory_space<semaphore_mem>>
    %dma_wait3A_77 = tpu.memref_squeeze %dma_wait3A_76 : memref<1x!tpu.dma_semaphore, #tpu.memory_space<semaphore_mem>> -> memref<!tpu.dma_semaphore, #tpu.memory_space<semaphore_mem>>
    %dma_wait3A_78 = arith.constant 0 : i32
    %dma_wait3A_79 = tpu.memref_slice %arg6[%mul3A_2, %dma_wait3A_78] : memref<10240x64xbf16, #tpu.memory_space<vmem_shared>> -> memref<128x64xbf16, #tpu.memory_space<vmem_shared>>
    tpu.wait_dma2 semaphore(%dma_wait3A_77 : memref<!tpu.dma_semaphore, #tpu.memory_space<semaphore_mem>>) src(%arg10 : memref<128x64xbf16, #tpu.memory_space<vmem>>) dst(%dma_wait3A_79 : memref<128x64xbf16, #tpu.memory_space<vmem_shared>>)
    %dma_wait3A_80 = arith.constant 0 : i32
    %dma_wait3A_81 = arith.constant 0 : i32
    %dma_wait3A_82 = tpu.memref_slice %arg6[%mul3A_2, %dma_wait3A_81] : memref<10240x64xbf16, #tpu.memory_space<vmem_shared>> -> memref<128x64xbf16, #tpu.memory_space<vmem_shared>>
    %dma_wait3A_83 = tpu.memref_slice %arg12[%dma_wait3A_80] : memref<6x!tpu.dma_semaphore, #tpu.memory_space<semaphore_mem>> -> memref<1x!tpu.dma_semaphore, #tpu.memory_space<semaphore_mem>>
    %dma_wait3A_84 = tpu.memref_squeeze %dma_wait3A_83 : memref<1x!tpu.dma_semaphore, #tpu.memory_space<semaphore_mem>> -> memref<!tpu.dma_semaphore, #tpu.memory_space<semaphore_mem>>
    %dma_wait3A_85 = arith.constant 0 : i32
    %dma_wait3A_86 = tpu.memref_slice %arg6[%mul3A_2, %dma_wait3A_85] : memref<10240x64xbf16, #tpu.memory_space<vmem_shared>> -> memref<128x64xbf16, #tpu.memory_space<vmem_shared>>
    tpu.wait_dma2 semaphore(%dma_wait3A_84 : memref<!tpu.dma_semaphore, #tpu.memory_space<semaphore_mem>>) src(%arg10 : memref<128x64xbf16, #tpu.memory_space<vmem>>) dst(%dma_wait3A_86 : memref<128x64xbf16, #tpu.memory_space<vmem_shared>>)
    %dma_wait3A_87 = arith.constant 0 : i32
    %dma_wait3A_88 = arith.constant 0 : i32
    %dma_wait3A_89 = tpu.memref_slice %arg6[%mul3A_2, %dma_wait3A_88] : memref<10240x64xbf16, #tpu.memory_space<vmem_shared>> -> memref<128x64xbf16, #tpu.memory_space<vmem_shared>>
    %dma_wait3A_90 = tpu.memref_slice %arg12[%dma_wait3A_87] : memref<6x!tpu.dma_semaphore, #tpu.memory_space<semaphore_mem>> -> memref<1x!tpu.dma_semaphore, #tpu.memory_space<semaphore_mem>>
    %dma_wait3A_91 = tpu.memref_squeeze %dma_wait3A_90 : memref<1x!tpu.dma_semaphore, #tpu.memory_space<semaphore_mem>> -> memref<!tpu.dma_semaphore, #tpu.memory_space<semaphore_mem>>
    %dma_wait3A_92 = arith.constant 0 : i32
    %dma_wait3A_93 = tpu.memref_slice %arg6[%mul3A_2, %dma_wait3A_92] : memref<10240x64xbf16, #tpu.memory_space<vmem_shared>> -> memref<128x64xbf16, #tpu.memory_space<vmem_shared>>
    tpu.wait_dma2 semaphore(%dma_wait3A_91 : memref<!tpu.dma_semaphore, #tpu.memory_space<semaphore_mem>>) src(%arg10 : memref<128x64xbf16, #tpu.memory_space<vmem>>) dst(%dma_wait3A_93 : memref<128x64xbf16, #tpu.memory_space<vmem_shared>>)
    %dma_wait3A_94 = arith.constant 0 : i32
    %dma_wait3A_95 = arith.constant 0 : i32
    %dma_wait3A_96 = tpu.memref_slice %arg6[%mul3A_2, %dma_wait3A_95] : memref<10240x64xbf16, #tpu.memory_space<vmem_shared>> -> memref<128x64xbf16, #tpu.memory_space<vmem_shared>>
    %dma_wait3A_97 = tpu.memref_slice %arg12[%dma_wait3A_94] : memref<6x!tpu.dma_semaphore, #tpu.memory_space<semaphore_mem>> -> memref<1x!tpu.dma_semaphore, #tpu.memory_space<semaphore_mem>>
    %dma_wait3A_98 = tpu.memref_squeeze %dma_wait3A_97 : memref<1x!tpu.dma_semaphore, #tpu.memory_space<semaphore_mem>> -> memref<!tpu.dma_semaphore, #tpu.memory_space<semaphore_mem>>
    %dma_wait3A_99 = arith.constant 0 : i32
    %dma_wait3A_100 = tpu.memref_slice %arg6[%mul3A_2, %dma_wait3A_99] : memref<10240x64xbf16, #tpu.memory_space<vmem_shared>> -> memref<128x64xbf16, #tpu.memory_space<vmem_shared>>
    tpu.wait_dma2 semaphore(%dma_wait3A_98 : memref<!tpu.dma_semaphore, #tpu.memory_space<semaphore_mem>>) src(%arg10 : memref<128x64xbf16, #tpu.memory_space<vmem>>) dst(%dma_wait3A_100 : memref<128x64xbf16, #tpu.memory_space<vmem_shared>>)
    %dma_wait3A_101 = arith.constant 0 : i32
    %dma_wait3A_102 = arith.constant 0 : i32
    %dma_wait3A_103 = tpu.memref_slice %arg6[%mul3A_2, %dma_wait3A_102] : memref<10240x64xbf16, #tpu.memory_space<vmem_shared>> -> memref<128x64xbf16, #tpu.memory_space<vmem_shared>>
    %dma_wait3A_104 = tpu.memref_slice %arg12[%dma_wait3A_101] : memref<6x!tpu.dma_semaphore, #tpu.memory_space<semaphore_mem>> -> memref<1x!tpu.dma_semaphore, #tpu.memory_space<semaphore_mem>>
    %dma_wait3A_105 = tpu.memref_squeeze %dma_wait3A_104 : memref<1x!tpu.dma_semaphore, #tpu.memory_space<semaphore_mem>> -> memref<!tpu.dma_semaphore, #tpu.memory_space<semaphore_mem>>
    %dma_wait3A_106 = arith.constant 0 : i32
    %dma_wait3A_107 = tpu.memref_slice %arg6[%mul3A_2, %dma_wait3A_106] : memref<10240x64xbf16, #tpu.memory_space<vmem_shared>> -> memref<128x64xbf16, #tpu.memory_space<vmem_shared>>
    tpu.wait_dma2 semaphore(%dma_wait3A_105 : memref<!tpu.dma_semaphore, #tpu.memory_space<semaphore_mem>>) src(%arg10 : memref<128x64xbf16, #tpu.memory_space<vmem>>) dst(%dma_wait3A_107 : memref<128x64xbf16, #tpu.memory_space<vmem_shared>>)
    %dma_wait3A_108 = arith.constant 0 : i32
    %dma_wait3A_109 = arith.constant 0 : i32
    %dma_wait3A_110 = arith.constant 0 : i32
    %dma_wait3A_111 = tpu.memref_slice %arg3[%add3A, %dma_wait3A_109, %dma_wait3A_110] : memref<32x125x80xi32, #tpu.memory_space<hbm>> -> memref<1x125x80xi32, #tpu.memory_space<hbm>>
    %dma_wait3A_112 = tpu.memref_squeeze %dma_wait3A_111 : memref<1x125x80xi32, #tpu.memory_space<hbm>> -> memref<125x80xi32, #tpu.memory_space<hbm>>
    %dma_wait3A_113 = tpu.memref_slice %arg11[%dma_wait3A_108] : memref<6x!tpu.dma_semaphore, #tpu.memory_space<semaphore_mem>> -> memref<1x!tpu.dma_semaphore, #tpu.memory_space<semaphore_mem>>
    %dma_wait3A_114 = tpu.memref_squeeze %dma_wait3A_113 : memref<1x!tpu.dma_semaphore, #tpu.memory_space<semaphore_mem>> -> memref<!tpu.dma_semaphore, #tpu.memory_space<semaphore_mem>>
    %dma_wait3A_115 = arith.constant 0 : i32
    %dma_wait3A_116 = arith.constant 0 : i32
    %dma_wait3A_117 = tpu.memref_slice %arg3[%add3A, %dma_wait3A_115, %dma_wait3A_116] : memref<32x125x80xi32, #tpu.memory_space<hbm>> -> memref<1x125x80xi32, #tpu.memory_space<hbm>>
    %dma_wait3A_118 = tpu.memref_squeeze %dma_wait3A_117 : memref<1x125x80xi32, #tpu.memory_space<hbm>> -> memref<125x80xi32, #tpu.memory_space<hbm>>
    tpu.wait_dma2 semaphore(%dma_wait3A_114 : memref<!tpu.dma_semaphore, #tpu.memory_space<semaphore_mem>>) src(%dma_wait3A_118 : memref<125x80xi32, #tpu.memory_space<hbm>>) dst(%arg7 : memref<125x80xi32, #tpu.memory_space<vmem>>)
    %dma_wait3A_119 = arith.constant 1 : i32
    %dma_wait3A_120 = arith.constant 0 : i32
    %dma_wait3A_121 = arith.constant 0 : i32
    %dma_wait3A_122 = tpu.memref_slice %arg4[%add3A, %dma_wait3A_120, %dma_wait3A_121] : memref<32x125x80xi32, #tpu.memory_space<hbm>> -> memref<1x125x80xi32, #tpu.memory_space<hbm>>
    %dma_wait3A_123 = tpu.memref_squeeze %dma_wait3A_122 : memref<1x125x80xi32, #tpu.memory_space<hbm>> -> memref<125x80xi32, #tpu.memory_space<hbm>>
    %dma_wait3A_124 = tpu.memref_slice %arg11[%dma_wait3A_119] : memref<6x!tpu.dma_semaphore, #tpu.memory_space<semaphore_mem>> -> memref<1x!tpu.dma_semaphore, #tpu.memory_space<semaphore_mem>>
    %dma_wait3A_125 = tpu.memref_squeeze %dma_wait3A_124 : memref<1x!tpu.dma_semaphore, #tpu.memory_space<semaphore_mem>> -> memref<!tpu.dma_semaphore, #tpu.memory_space<semaphore_mem>>
    %dma_wait3A_126 = arith.constant 0 : i32
    %dma_wait3A_127 = arith.constant 0 : i32
    %dma_wait3A_128 = tpu.memref_slice %arg4[%add3A, %dma_wait3A_126, %dma_wait3A_127] : memref<32x125x80xi32, #tpu.memory_space<hbm>> -> memref<1x125x80xi32, #tpu.memory_space<hbm>>
    %dma_wait3A_129 = tpu.memref_squeeze %dma_wait3A_128 : memref<1x125x80xi32, #tpu.memory_space<hbm>> -> memref<125x80xi32, #tpu.memory_space<hbm>>
    tpu.wait_dma2 semaphore(%dma_wait3A_125 : memref<!tpu.dma_semaphore, #tpu.memory_space<semaphore_mem>>) src(%dma_wait3A_129 : memref<125x80xi32, #tpu.memory_space<hbm>>) dst(%arg8 : memref<125x80xi32, #tpu.memory_space<vmem>>)
    %barrier3A = arith.constant 0 : index
    tpu.barrier barrier_id(%barrier3A)
    %dma_start3A_130 = arith.constant 1 : i32
    %dma_start3A_131 = arith.constant 0 : i32
    %dma_start3A_132 = arith.constant 0 : i32
    %dma_start3A_133 = arith.constant 0 : i32
    %dma_start3A_134 = arith.constant 0 : i32
    %dma_start3A_135 = arith.constant 0 : i32
    %dma_start3A_136 = tpu.memref_slice %arg9[%dma_start3A_132, %dma_start3A_134, %dma_start3A_135] : memref<6x80x64xbf16, #tpu.memory_space<vmem>> -> memref<1x80x64xbf16, #tpu.memory_space<vmem>>
    %dma_start3A_137 = tpu.memref_squeeze %dma_start3A_136 : memref<1x80x64xbf16, #tpu.memory_space<vmem>> -> memref<80x64xbf16, #tpu.memory_space<vmem>>
    %dma_start3A_138 = arith.constant 0 : i32
    %dma_start3A_139 = tpu.memref_slice %arg7[%dma_start3A_131, %dma_start3A_138] : memref<125x80xi32, #tpu.memory_space<vmem>> -> memref<1x80xi32, #tpu.memory_space<vmem>>
    %dma_start3A_140 = tpu.memref_squeeze %dma_start3A_139 : memref<1x80xi32, #tpu.memory_space<vmem>> -> memref<80xi32, #tpu.memory_space<vmem>>
    %dma_start3A_141 = arith.constant 0 : i32
    %dma_start3A_142 = arith.constant 0 : i32
    %dma_start3A_143 = tpu.memref_slice %arg2[%dma_start3A_130, %dma_start3A_141, %dma_start3A_142] : memref<2x10000x64xbf16, #tpu.memory_space<hbm>> -> memref<1x10000x64xbf16, #tpu.memory_space<hbm>>
    %dma_start3A_144 = tpu.memref_squeeze %dma_start3A_143 : memref<1x10000x64xbf16, #tpu.memory_space<hbm>> -> memref<10000x64xbf16, #tpu.memory_space<hbm>>
    %dma_start3A_145 = arith.constant 0 : i32
    %dma_start3A_146 = arith.constant 0 : i32
    %dma_start3A_147 = tpu.memref_slice %dma_start3A_144[%dma_start3A_145, %dma_start3A_146] : memref<10000x64xbf16, #tpu.memory_space<hbm>> -> memref<10000x64xbf16, #tpu.memory_space<hbm>>
    %dma_start3A_148 = tpu.memref_slice %arg11[%dma_start3A_133] : memref<6x!tpu.dma_semaphore, #tpu.memory_space<semaphore_mem>> -> memref<1x!tpu.dma_semaphore, #tpu.memory_space<semaphore_mem>>
    %dma_start3A_149 = tpu.memref_squeeze %dma_start3A_148 : memref<1x!tpu.dma_semaphore, #tpu.memory_space<semaphore_mem>> -> memref<!tpu.dma_semaphore, #tpu.memory_space<semaphore_mem>>
    tpu.enqueue_indirect_dma source(%dma_start3A_147 : memref<10000x64xbf16, #tpu.memory_space<hbm>>) target(%dma_start3A_137 : memref<80x64xbf16, #tpu.memory_space<vmem>>) offsets(%dma_start3A_140 : memref<80xi32, #tpu.memory_space<vmem>>) semaphore(%dma_start3A_149 : memref<!tpu.dma_semaphore, #tpu.memory_space<semaphore_mem>>)
    %dma_start3A_150 = arith.constant 1 : i32
    %dma_start3A_151 = arith.constant 1 : i32
    %dma_start3A_152 = arith.constant 1 : i32
    %dma_start3A_153 = arith.constant 1 : i32
    %dma_start3A_154 = arith.constant 0 : i32
    %dma_start3A_155 = arith.constant 0 : i32
    %dma_start3A_156 = tpu.memref_slice %arg9[%dma_start3A_152, %dma_start3A_154, %dma_start3A_155] : memref<6x80x64xbf16, #tpu.memory_space<vmem>> -> memref<1x80x64xbf16, #tpu.memory_space<vmem>>
    %dma_start3A_157 = tpu.memref_squeeze %dma_start3A_156 : memref<1x80x64xbf16, #tpu.memory_space<vmem>> -> memref<80x64xbf16, #tpu.memory_space<vmem>>
    %dma_start3A_158 = arith.constant 0 : i32
    %dma_start3A_159 = tpu.memref_slice %arg7[%dma_start3A_151, %dma_start3A_158] : memref<125x80xi32, #tpu.memory_space<vmem>> -> memref<1x80xi32, #tpu.memory_space<vmem>>
    %dma_start3A_160 = tpu.memref_squeeze %dma_start3A_159 : memref<1x80xi32, #tpu.memory_space<vmem>> -> memref<80xi32, #tpu.memory_space<vmem>>
    %dma_start3A_161 = arith.constant 0 : i32
    %dma_start3A_162 = arith.constant 0 : i32
    %dma_start3A_163 = tpu.memref_slice %arg2[%dma_start3A_150, %dma_start3A_161, %dma_start3A_162] : memref<2x10000x64xbf16, #tpu.memory_space<hbm>> -> memref<1x10000x64xbf16, #tpu.memory_space<hbm>>
    %dma_start3A_164 = tpu.memref_squeeze %dma_start3A_163 : memref<1x10000x64xbf16, #tpu.memory_space<hbm>> -> memref<10000x64xbf16, #tpu.memory_space<hbm>>
    %dma_start3A_165 = arith.constant 0 : i32
    %dma_start3A_166 = arith.constant 0 : i32
    %dma_start3A_167 = tpu.memref_slice %dma_start3A_164[%dma_start3A_165, %dma_start3A_166] : memref<10000x64xbf16, #tpu.memory_space<hbm>> -> memref<10000x64xbf16, #tpu.memory_space<hbm>>
    %dma_start3A_168 = tpu.memref_slice %arg11[%dma_start3A_153] : memref<6x!tpu.dma_semaphore, #tpu.memory_space<semaphore_mem>> -> memref<1x!tpu.dma_semaphore, #tpu.memory_space<semaphore_mem>>
    %dma_start3A_169 = tpu.memref_squeeze %dma_start3A_168 : memref<1x!tpu.dma_semaphore, #tpu.memory_space<semaphore_mem>> -> memref<!tpu.dma_semaphore, #tpu.memory_space<semaphore_mem>>
    tpu.enqueue_indirect_dma source(%dma_start3A_167 : memref<10000x64xbf16, #tpu.memory_space<hbm>>) target(%dma_start3A_157 : memref<80x64xbf16, #tpu.memory_space<vmem>>) offsets(%dma_start3A_160 : memref<80xi32, #tpu.memory_space<vmem>>) semaphore(%dma_start3A_169 : memref<!tpu.dma_semaphore, #tpu.memory_space<semaphore_mem>>)
    %dma_start3A_170 = arith.constant 1 : i32
    %dma_start3A_171 = arith.constant 2 : i32
    %dma_start3A_172 = arith.constant 2 : i32
    %dma_start3A_173 = arith.constant 2 : i32
    %dma_start3A_174 = arith.constant 0 : i32
    %dma_start3A_175 = arith.constant 0 : i32
    %dma_start3A_176 = tpu.memref_slice %arg9[%dma_start3A_172, %dma_start3A_174, %dma_start3A_175] : memref<6x80x64xbf16, #tpu.memory_space<vmem>> -> memref<1x80x64xbf16, #tpu.memory_space<vmem>>
    %dma_start3A_177 = tpu.memref_squeeze %dma_start3A_176 : memref<1x80x64xbf16, #tpu.memory_space<vmem>> -> memref<80x64xbf16, #tpu.memory_space<vmem>>
    %dma_start3A_178 = arith.constant 0 : i32
    %dma_start3A_179 = tpu.memref_slice %arg7[%dma_start3A_171, %dma_start3A_178] : memref<125x80xi32, #tpu.memory_space<vmem>> -> memref<1x80xi32, #tpu.memory_space<vmem>>
    %dma_start3A_180 = tpu.memref_squeeze %dma_start3A_179 : memref<1x80xi32, #tpu.memory_space<vmem>> -> memref<80xi32, #tpu.memory_space<vmem>>
    %dma_start3A_181 = arith.constant 0 : i32
    %dma_start3A_182 = arith.constant 0 : i32
    %dma_start3A_183 = tpu.memref_slice %arg2[%dma_start3A_170, %dma_start3A_181, %dma_start3A_182] : memref<2x10000x64xbf16, #tpu.memory_space<hbm>> -> memref<1x10000x64xbf16, #tpu.memory_space<hbm>>
    %dma_start3A_184 = tpu.memref_squeeze %dma_start3A_183 : memref<1x10000x64xbf16, #tpu.memory_space<hbm>> -> memref<10000x64xbf16, #tpu.memory_space<hbm>>
    %dma_start3A_185 = arith.constant 0 : i32
    %dma_start3A_186 = arith.constant 0 : i32
    %dma_start3A_187 = tpu.memref_slice %dma_start3A_184[%dma_start3A_185, %dma_start3A_186] : memref<10000x64xbf16, #tpu.memory_space<hbm>> -> memref<10000x64xbf16, #tpu.memory_space<hbm>>
    %dma_start3A_188 = tpu.memref_slice %arg11[%dma_start3A_173] : memref<6x!tpu.dma_semaphore, #tpu.memory_space<semaphore_mem>> -> memref<1x!tpu.dma_semaphore, #tpu.memory_space<semaphore_mem>>
    %dma_start3A_189 = tpu.memref_squeeze %dma_start3A_188 : memref<1x!tpu.dma_semaphore, #tpu.memory_space<semaphore_mem>> -> memref<!tpu.dma_semaphore, #tpu.memory_space<semaphore_mem>>
    tpu.enqueue_indirect_dma source(%dma_start3A_187 : memref<10000x64xbf16, #tpu.memory_space<hbm>>) target(%dma_start3A_177 : memref<80x64xbf16, #tpu.memory_space<vmem>>) offsets(%dma_start3A_180 : memref<80xi32, #tpu.memory_space<vmem>>) semaphore(%dma_start3A_189 : memref<!tpu.dma_semaphore, #tpu.memory_space<semaphore_mem>>)
    %dma_wait3A_190 = arith.constant 1 : i32
    %dma_wait3A_191 = arith.constant 0 : i32
    %dma_wait3A_192 = arith.constant 0 : i32
    %dma_wait3A_193 = arith.constant 0 : i32
    %dma_wait3A_194 = arith.constant 0 : i32
    %dma_wait3A_195 = arith.constant 0 : i32
    %dma_wait3A_196 = tpu.memref_slice %arg9[%dma_wait3A_192, %dma_wait3A_194, %dma_wait3A_195] : memref<6x80x64xbf16, #tpu.memory_space<vmem>> -> memref<1x80x64xbf16, #tpu.memory_space<vmem>>
    %dma_wait3A_197 = tpu.memref_squeeze %dma_wait3A_196 : memref<1x80x64xbf16, #tpu.memory_space<vmem>> -> memref<80x64xbf16, #tpu.memory_space<vmem>>
    %dma_wait3A_198 = arith.constant 0 : i32
    %dma_wait3A_199 = tpu.memref_slice %arg7[%dma_wait3A_191, %dma_wait3A_198] : memref<125x80xi32, #tpu.memory_space<vmem>> -> memref<1x80xi32, #tpu.memory_space<vmem>>
    %dma_wait3A_200 = tpu.memref_squeeze %dma_wait3A_199 : memref<1x80xi32, #tpu.memory_space<vmem>> -> memref<80xi32, #tpu.memory_space<vmem>>
    %dma_wait3A_201 = arith.constant 0 : i32
    %dma_wait3A_202 = arith.constant 0 : i32
    %dma_wait3A_203 = tpu.memref_slice %arg2[%dma_wait3A_190, %dma_wait3A_201, %dma_wait3A_202] : memref<2x10000x64xbf16, #tpu.memory_space<hbm>> -> memref<1x10000x64xbf16, #tpu.memory_space<hbm>>
    %dma_wait3A_204 = tpu.memref_squeeze %dma_wait3A_203 : memref<1x10000x64xbf16, #tpu.memory_space<hbm>> -> memref<10000x64xbf16, #tpu.memory_space<hbm>>
    %dma_wait3A_205 = arith.constant 0 : i32
    %dma_wait3A_206 = arith.constant 0 : i32
    %dma_wait3A_207 = tpu.memref_slice %dma_wait3A_204[%dma_wait3A_205, %dma_wait3A_206] : memref<10000x64xbf16, #tpu.memory_space<hbm>> -> memref<10000x64xbf16, #tpu.memory_space<hbm>>
    %dma_wait3A_208 = tpu.memref_slice %arg11[%dma_wait3A_193] : memref<6x!tpu.dma_semaphore, #tpu.memory_space<semaphore_mem>> -> memref<1x!tpu.dma_semaphore, #tpu.memory_space<semaphore_mem>>
    %dma_wait3A_209 = tpu.memref_squeeze %dma_wait3A_208 : memref<1x!tpu.dma_semaphore, #tpu.memory_space<semaphore_mem>> -> memref<!tpu.dma_semaphore, #tpu.memory_space<semaphore_mem>>
    tpu.wait_indirect_dma semaphore(%dma_wait3A_209 : memref<!tpu.dma_semaphore, #tpu.memory_space<semaphore_mem>>) src(%dma_wait3A_207 : memref<10000x64xbf16, #tpu.memory_space<hbm>>) dst(%dma_wait3A_197 : memref<80x64xbf16, #tpu.memory_space<vmem>>)
    %dma_start3A_210 = arith.constant 1 : i32
    %dma_start3A_211 = arith.constant 3 : i32
    %dma_start3A_212 = arith.constant 3 : i32
    %dma_start3A_213 = arith.constant 3 : i32
    %dma_start3A_214 = arith.constant 0 : i32
    %dma_start3A_215 = arith.constant 0 : i32
    %dma_start3A_216 = tpu.memref_slice %arg9[%dma_start3A_212, %dma_start3A_214, %dma_start3A_215] : memref<6x80x64xbf16, #tpu.memory_space<vmem>> -> memref<1x80x64xbf16, #tpu.memory_space<vmem>>
    %dma_start3A_217 = tpu.memref_squeeze %dma_start3A_216 : memref<1x80x64xbf16, #tpu.memory_space<vmem>> -> memref<80x64xbf16, #tpu.memory_space<vmem>>
    %dma_start3A_218 = arith.constant 0 : i32
    %dma_start3A_219 = tpu.memref_slice %arg7[%dma_start3A_211, %dma_start3A_218] : memref<125x80xi32, #tpu.memory_space<vmem>> -> memref<1x80xi32, #tpu.memory_space<vmem>>
    %dma_start3A_220 = tpu.memref_squeeze %dma_start3A_219 : memref<1x80xi32, #tpu.memory_space<vmem>> -> memref<80xi32, #tpu.memory_space<vmem>>
    %dma_start3A_221 = arith.constant 0 : i32
    %dma_start3A_222 = arith.constant 0 : i32
    %dma_start3A_223 = tpu.memref_slice %arg2[%dma_start3A_210, %dma_start3A_221, %dma_start3A_222] : memref<2x10000x64xbf16, #tpu.memory_space<hbm>> -> memref<1x10000x64xbf16, #tpu.memory_space<hbm>>
    %dma_start3A_224 = tpu.memref_squeeze %dma_start3A_223 : memref<1x10000x64xbf16, #tpu.memory_space<hbm>> -> memref<10000x64xbf16, #tpu.memory_space<hbm>>
    %dma_start3A_225 = arith.constant 0 : i32
    %dma_start3A_226 = arith.constant 0 : i32
    %dma_start3A_227 = tpu.memref_slice %dma_start3A_224[%dma_start3A_225, %dma_start3A_226] : memref<10000x64xbf16, #tpu.memory_space<hbm>> -> memref<10000x64xbf16, #tpu.memory_space<hbm>>
    %dma_start3A_228 = tpu.memref_slice %arg11[%dma_start3A_213] : memref<6x!tpu.dma_semaphore, #tpu.memory_space<semaphore_mem>> -> memref<1x!tpu.dma_semaphore, #tpu.memory_space<semaphore_mem>>
    %dma_start3A_229 = tpu.memref_squeeze %dma_start3A_228 : memref<1x!tpu.dma_semaphore, #tpu.memory_space<semaphore_mem>> -> memref<!tpu.dma_semaphore, #tpu.memory_space<semaphore_mem>>
    tpu.enqueue_indirect_dma source(%dma_start3A_227 : memref<10000x64xbf16, #tpu.memory_space<hbm>>) target(%dma_start3A_217 : memref<80x64xbf16, #tpu.memory_space<vmem>>) offsets(%dma_start3A_220 : memref<80xi32, #tpu.memory_space<vmem>>) semaphore(%dma_start3A_229 : memref<!tpu.dma_semaphore, #tpu.memory_space<semaphore_mem>>)
    %dma_start3A_230 = arith.constant 0 : i32
    %dma_start3A_231 = arith.constant 0 : i32
    %dma_start3A_232 = arith.constant 0 : i32
    %dma_start3A_233 = arith.constant 0 : i32
    %dma_start3A_234 = arith.constant 0 : i32
    %dma_start3A_235 = tpu.memref_slice %arg9[%dma_start3A_230, %dma_start3A_233, %dma_start3A_234] : memref<6x80x64xbf16, #tpu.memory_space<vmem>> -> memref<1x80x64xbf16, #tpu.memory_space<vmem>>
    %dma_start3A_236 = tpu.memref_squeeze %dma_start3A_235 : memref<1x80x64xbf16, #tpu.memory_space<vmem>> -> memref<80x64xbf16, #tpu.memory_space<vmem>>
    %dma_start3A_237 = arith.constant 0 : i32
    %dma_start3A_238 = tpu.memref_slice %arg8[%dma_start3A_231, %dma_start3A_237] : memref<125x80xi32, #tpu.memory_space<vmem>> -> memref<1x80xi32, #tpu.memory_space<vmem>>
    %dma_start3A_239 = tpu.memref_squeeze %dma_start3A_238 : memref<1x80xi32, #tpu.memory_space<vmem>> -> memref<80xi32, #tpu.memory_space<vmem>>
    %dma_start3A_240 = arith.constant 0 : i32
    %dma_start3A_241 = arith.constant 0 : i32
    %dma_start3A_242 = tpu.memref_slice %arg6[%dma_start3A_240, %dma_start3A_241] : memref<10240x64xbf16, #tpu.memory_space<vmem_shared>> -> memref<10240x64xbf16, #tpu.memory_space<vmem_shared>>
    %dma_start3A_243 = tpu.memref_slice %arg12[%dma_start3A_232] : memref<6x!tpu.dma_semaphore, #tpu.memory_space<semaphore_mem>> -> memref<1x!tpu.dma_semaphore, #tpu.memory_space<semaphore_mem>>
    %dma_start3A_244 = tpu.memref_squeeze %dma_start3A_243 : memref<1x!tpu.dma_semaphore, #tpu.memory_space<semaphore_mem>> -> memref<!tpu.dma_semaphore, #tpu.memory_space<semaphore_mem>>
    tpu.enqueue_indirect_dma source(%dma_start3A_236 : memref<80x64xbf16, #tpu.memory_space<vmem>>) target(%dma_start3A_242 : memref<10240x64xbf16, #tpu.memory_space<vmem_shared>>) offsets(%dma_start3A_239 : memref<80xi32, #tpu.memory_space<vmem>>) semaphore(%dma_start3A_244 : memref<!tpu.dma_semaphore, #tpu.memory_space<semaphore_mem>>) {add = true}
    %dma_wait3A_245 = arith.constant 1 : i32
    %dma_wait3A_246 = arith.constant 1 : i32
    %dma_wait3A_247 = arith.constant 1 : i32
    %dma_wait3A_248 = arith.constant 1 : i32
    %dma_wait3A_249 = arith.constant 0 : i32
    %dma_wait3A_250 = arith.constant 0 : i32
    %dma_wait3A_251 = tpu.memref_slice %arg9[%dma_wait3A_247, %dma_wait3A_249, %dma_wait3A_250] : memref<6x80x64xbf16, #tpu.memory_space<vmem>> -> memref<1x80x64xbf16, #tpu.memory_space<vmem>>
    %dma_wait3A_252 = tpu.memref_squeeze %dma_wait3A_251 : memref<1x80x64xbf16, #tpu.memory_space<vmem>> -> memref<80x64xbf16, #tpu.memory_space<vmem>>
    %dma_wait3A_253 = arith.constant 0 : i32
    %dma_wait3A_254 = tpu.memref_slice %arg7[%dma_wait3A_246, %dma_wait3A_253] : memref<125x80xi32, #tpu.memory_space<vmem>> -> memref<1x80xi32, #tpu.memory_space<vmem>>
    %dma_wait3A_255 = tpu.memref_squeeze %dma_wait3A_254 : memref<1x80xi32, #tpu.memory_space<vmem>> -> memref<80xi32, #tpu.memory_space<vmem>>
    %dma_wait3A_256 = arith.constant 0 : i32
    %dma_wait3A_257 = arith.constant 0 : i32
    %dma_wait3A_258 = tpu.memref_slice %arg2[%dma_wait3A_245, %dma_wait3A_256, %dma_wait3A_257] : memref<2x10000x64xbf16, #tpu.memory_space<hbm>> -> memref<1x10000x64xbf16, #tpu.memory_space<hbm>>
    %dma_wait3A_259 = tpu.memref_squeeze %dma_wait3A_258 : memref<1x10000x64xbf16, #tpu.memory_space<hbm>> -> memref<10000x64xbf16, #tpu.memory_space<hbm>>
    %dma_wait3A_260 = arith.constant 0 : i32
    %dma_wait3A_261 = arith.constant 0 : i32
    %dma_wait3A_262 = tpu.memref_slice %dma_wait3A_259[%dma_wait3A_260, %dma_wait3A_261] : memref<10000x64xbf16, #tpu.memory_space<hbm>> -> memref<10000x64xbf16, #tpu.memory_space<hbm>>
    %dma_wait3A_263 = tpu.memref_slice %arg11[%dma_wait3A_248] : memref<6x!tpu.dma_semaphore, #tpu.memory_space<semaphore_mem>> -> memref<1x!tpu.dma_semaphore, #tpu.memory_space<semaphore_mem>>
    %dma_wait3A_264 = tpu.memref_squeeze %dma_wait3A_263 : memref<1x!tpu.dma_semaphore, #tpu.memory_space<semaphore_mem>> -> memref<!tpu.dma_semaphore, #tpu.memory_space<semaphore_mem>>
    tpu.wait_indirect_dma semaphore(%dma_wait3A_264 : memref<!tpu.dma_semaphore, #tpu.memory_space<semaphore_mem>>) src(%dma_wait3A_262 : memref<10000x64xbf16, #tpu.memory_space<hbm>>) dst(%dma_wait3A_252 : memref<80x64xbf16, #tpu.memory_space<vmem>>)
    %dma_start3A_265 = arith.constant 1 : i32
    %dma_start3A_266 = arith.constant 4 : i32
    %dma_start3A_267 = arith.constant 4 : i32
    %dma_start3A_268 = arith.constant 4 : i32
    %dma_start3A_269 = arith.constant 0 : i32
    %dma_start3A_270 = arith.constant 0 : i32
    %dma_start3A_271 = tpu.memref_slice %arg9[%dma_start3A_267, %dma_start3A_269, %dma_start3A_270] : memref<6x80x64xbf16, #tpu.memory_space<vmem>> -> memref<1x80x64xbf16, #tpu.memory_space<vmem>>
    %dma_start3A_272 = tpu.memref_squeeze %dma_start3A_271 : memref<1x80x64xbf16, #tpu.memory_space<vmem>> -> memref<80x64xbf16, #tpu.memory_space<vmem>>
    %dma_start3A_273 = arith.constant 0 : i32
    %dma_start3A_274 = tpu.memref_slice %arg7[%dma_start3A_266, %dma_start3A_273] : memref<125x80xi32, #tpu.memory_space<vmem>> -> memref<1x80xi32, #tpu.memory_space<vmem>>
    %dma_start3A_275 = tpu.memref_squeeze %dma_start3A_274 : memref<1x80xi32, #tpu.memory_space<vmem>> -> memref<80xi32, #tpu.memory_space<vmem>>
    %dma_start3A_276 = arith.constant 0 : i32
    %dma_start3A_277 = arith.constant 0 : i32
    %dma_start3A_278 = tpu.memref_slice %arg2[%dma_start3A_265, %dma_start3A_276, %dma_start3A_277] : memref<2x10000x64xbf16, #tpu.memory_space<hbm>> -> memref<1x10000x64xbf16, #tpu.memory_space<hbm>>
    %dma_start3A_279 = tpu.memref_squeeze %dma_start3A_278 : memref<1x10000x64xbf16, #tpu.memory_space<hbm>> -> memref<10000x64xbf16, #tpu.memory_space<hbm>>
    %dma_start3A_280 = arith.constant 0 : i32
    %dma_start3A_281 = arith.constant 0 : i32
    %dma_start3A_282 = tpu.memref_slice %dma_start3A_279[%dma_start3A_280, %dma_start3A_281] : memref<10000x64xbf16, #tpu.memory_space<hbm>> -> memref<10000x64xbf16, #tpu.memory_space<hbm>>
    %dma_start3A_283 = tpu.memref_slice %arg11[%dma_start3A_268] : memref<6x!tpu.dma_semaphore, #tpu.memory_space<semaphore_mem>> -> memref<1x!tpu.dma_semaphore, #tpu.memory_space<semaphore_mem>>
    %dma_start3A_284 = tpu.memref_squeeze %dma_start3A_283 : memref<1x!tpu.dma_semaphore, #tpu.memory_space<semaphore_mem>> -> memref<!tpu.dma_semaphore, #tpu.memory_space<semaphore_mem>>
    tpu.enqueue_indirect_dma source(%dma_start3A_282 : memref<10000x64xbf16, #tpu.memory_space<hbm>>) target(%dma_start3A_272 : memref<80x64xbf16, #tpu.memory_space<vmem>>) offsets(%dma_start3A_275 : memref<80xi32, #tpu.memory_space<vmem>>) semaphore(%dma_start3A_284 : memref<!tpu.dma_semaphore, #tpu.memory_space<semaphore_mem>>)
    %dma_start3A_285 = arith.constant 1 : i32
    %dma_start3A_286 = arith.constant 1 : i32
    %dma_start3A_287 = arith.constant 1 : i32
    %dma_start3A_288 = arith.constant 0 : i32
    %dma_start3A_289 = arith.constant 0 : i32
    %dma_start3A_290 = tpu.memref_slice %arg9[%dma_start3A_285, %dma_start3A_288, %dma_start3A_289] : memref<6x80x64xbf16, #tpu.memory_space<vmem>> -> memref<1x80x64xbf16, #tpu.memory_space<vmem>>
    %dma_start3A_291 = tpu.memref_squeeze %dma_start3A_290 : memref<1x80x64xbf16, #tpu.memory_space<vmem>> -> memref<80x64xbf16, #tpu.memory_space<vmem>>
    %dma_start3A_292 = arith.constant 0 : i32
    %dma_start3A_293 = tpu.memref_slice %arg8[%dma_start3A_286, %dma_start3A_292] : memref<125x80xi32, #tpu.memory_space<vmem>> -> memref<1x80xi32, #tpu.memory_space<vmem>>
    %dma_start3A_294 = tpu.memref_squeeze %dma_start3A_293 : memref<1x80xi32, #tpu.memory_space<vmem>> -> memref<80xi32, #tpu.memory_space<vmem>>
    %dma_start3A_295 = arith.constant 0 : i32
    %dma_start3A_296 = arith.constant 0 : i32
    %dma_start3A_297 = tpu.memref_slice %arg6[%dma_start3A_295, %dma_start3A_296] : memref<10240x64xbf16, #tpu.memory_space<vmem_shared>> -> memref<10240x64xbf16, #tpu.memory_space<vmem_shared>>
    %dma_start3A_298 = tpu.memref_slice %arg12[%dma_start3A_287] : memref<6x!tpu.dma_semaphore, #tpu.memory_space<semaphore_mem>> -> memref<1x!tpu.dma_semaphore, #tpu.memory_space<semaphore_mem>>
    %dma_start3A_299 = tpu.memref_squeeze %dma_start3A_298 : memref<1x!tpu.dma_semaphore, #tpu.memory_space<semaphore_mem>> -> memref<!tpu.dma_semaphore, #tpu.memory_space<semaphore_mem>>
    tpu.enqueue_indirect_dma source(%dma_start3A_291 : memref<80x64xbf16, #tpu.memory_space<vmem>>) target(%dma_start3A_297 : memref<10240x64xbf16, #tpu.memory_space<vmem_shared>>) offsets(%dma_start3A_294 : memref<80xi32, #tpu.memory_space<vmem>>) semaphore(%dma_start3A_299 : memref<!tpu.dma_semaphore, #tpu.memory_space<semaphore_mem>>) {add = true}
    %dma_wait3A_300 = arith.constant 1 : i32
    %dma_wait3A_301 = arith.constant 2 : i32
    %dma_wait3A_302 = arith.constant 2 : i32
    %dma_wait3A_303 = arith.constant 2 : i32
    %dma_wait3A_304 = arith.constant 0 : i32
    %dma_wait3A_305 = arith.constant 0 : i32
    %dma_wait3A_306 = tpu.memref_slice %arg9[%dma_wait3A_302, %dma_wait3A_304, %dma_wait3A_305] : memref<6x80x64xbf16, #tpu.memory_space<vmem>> -> memref<1x80x64xbf16, #tpu.memory_space<vmem>>
    %dma_wait3A_307 = tpu.memref_squeeze %dma_wait3A_306 : memref<1x80x64xbf16, #tpu.memory_space<vmem>> -> memref<80x64xbf16, #tpu.memory_space<vmem>>
    %dma_wait3A_308 = arith.constant 0 : i32
    %dma_wait3A_309 = tpu.memref_slice %arg7[%dma_wait3A_301, %dma_wait3A_308] : memref<125x80xi32, #tpu.memory_space<vmem>> -> memref<1x80xi32, #tpu.memory_space<vmem>>
    %dma_wait3A_310 = tpu.memref_squeeze %dma_wait3A_309 : memref<1x80xi32, #tpu.memory_space<vmem>> -> memref<80xi32, #tpu.memory_space<vmem>>
    %dma_wait3A_311 = arith.constant 0 : i32
    %dma_wait3A_312 = arith.constant 0 : i32
    %dma_wait3A_313 = tpu.memref_slice %arg2[%dma_wait3A_300, %dma_wait3A_311, %dma_wait3A_312] : memref<2x10000x64xbf16, #tpu.memory_space<hbm>> -> memref<1x10000x64xbf16, #tpu.memory_space<hbm>>
    %dma_wait3A_314 = tpu.memref_squeeze %dma_wait3A_313 : memref<1x10000x64xbf16, #tpu.memory_space<hbm>> -> memref<10000x64xbf16, #tpu.memory_space<hbm>>
    %dma_wait3A_315 = arith.constant 0 : i32
    %dma_wait3A_316 = arith.constant 0 : i32
    %dma_wait3A_317 = tpu.memref_slice %dma_wait3A_314[%dma_wait3A_315, %dma_wait3A_316] : memref<10000x64xbf16, #tpu.memory_space<hbm>> -> memref<10000x64xbf16, #tpu.memory_space<hbm>>
    %dma_wait3A_318 = tpu.memref_slice %arg11[%dma_wait3A_303] : memref<6x!tpu.dma_semaphore, #tpu.memory_space<semaphore_mem>> -> memref<1x!tpu.dma_semaphore, #tpu.memory_space<semaphore_mem>>
    %dma_wait3A_319 = tpu.memref_squeeze %dma_wait3A_318 : memref<1x!tpu.dma_semaphore, #tpu.memory_space<semaphore_mem>> -> memref<!tpu.dma_semaphore, #tpu.memory_space<semaphore_mem>>
    tpu.wait_indirect_dma semaphore(%dma_wait3A_319 : memref<!tpu.dma_semaphore, #tpu.memory_space<semaphore_mem>>) src(%dma_wait3A_317 : memref<10000x64xbf16, #tpu.memory_space<hbm>>) dst(%dma_wait3A_307 : memref<80x64xbf16, #tpu.memory_space<vmem>>)
    %dma_start3A_320 = arith.constant 1 : i32
    %dma_start3A_321 = arith.constant 5 : i32
    %dma_start3A_322 = arith.constant 5 : i32
    %dma_start3A_323 = arith.constant 5 : i32
    %dma_start3A_324 = arith.constant 0 : i32
    %dma_start3A_325 = arith.constant 0 : i32
    %dma_start3A_326 = tpu.memref_slice %arg9[%dma_start3A_322, %dma_start3A_324, %dma_start3A_325] : memref<6x80x64xbf16, #tpu.memory_space<vmem>> -> memref<1x80x64xbf16, #tpu.memory_space<vmem>>
    %dma_start3A_327 = tpu.memref_squeeze %dma_start3A_326 : memref<1x80x64xbf16, #tpu.memory_space<vmem>> -> memref<80x64xbf16, #tpu.memory_space<vmem>>
    %dma_start3A_328 = arith.constant 0 : i32
    %dma_start3A_329 = tpu.memref_slice %arg7[%dma_start3A_321, %dma_start3A_328] : memref<125x80xi32, #tpu.memory_space<vmem>> -> memref<1x80xi32, #tpu.memory_space<vmem>>
    %dma_start3A_330 = tpu.memref_squeeze %dma_start3A_329 : memref<1x80xi32, #tpu.memory_space<vmem>> -> memref<80xi32, #tpu.memory_space<vmem>>
    %dma_start3A_331 = arith.constant 0 : i32
    %dma_start3A_332 = arith.constant 0 : i32
    %dma_start3A_333 = tpu.memref_slice %arg2[%dma_start3A_320, %dma_start3A_331, %dma_start3A_332] : memref<2x10000x64xbf16, #tpu.memory_space<hbm>> -> memref<1x10000x64xbf16, #tpu.memory_space<hbm>>
    %dma_start3A_334 = tpu.memref_squeeze %dma_start3A_333 : memref<1x10000x64xbf16, #tpu.memory_space<hbm>> -> memref<10000x64xbf16, #tpu.memory_space<hbm>>
    %dma_start3A_335 = arith.constant 0 : i32
    %dma_start3A_336 = arith.constant 0 : i32
    %dma_start3A_337 = tpu.memref_slice %dma_start3A_334[%dma_start3A_335, %dma_start3A_336] : memref<10000x64xbf16, #tpu.memory_space<hbm>> -> memref<10000x64xbf16, #tpu.memory_space<hbm>>
    %dma_start3A_338 = tpu.memref_slice %arg11[%dma_start3A_323] : memref<6x!tpu.dma_semaphore, #tpu.memory_space<semaphore_mem>> -> memref<1x!tpu.dma_semaphore, #tpu.memory_space<semaphore_mem>>
    %dma_start3A_339 = tpu.memref_squeeze %dma_start3A_338 : memref<1x!tpu.dma_semaphore, #tpu.memory_space<semaphore_mem>> -> memref<!tpu.dma_semaphore, #tpu.memory_space<semaphore_mem>>
    tpu.enqueue_indirect_dma source(%dma_start3A_337 : memref<10000x64xbf16, #tpu.memory_space<hbm>>) target(%dma_start3A_327 : memref<80x64xbf16, #tpu.memory_space<vmem>>) offsets(%dma_start3A_330 : memref<80xi32, #tpu.memory_space<vmem>>) semaphore(%dma_start3A_339 : memref<!tpu.dma_semaphore, #tpu.memory_space<semaphore_mem>>)
    %dma_start3A_340 = arith.constant 2 : i32
    %dma_start3A_341 = arith.constant 2 : i32
    %dma_start3A_342 = arith.constant 2 : i32
    %dma_start3A_343 = arith.constant 0 : i32
    %dma_start3A_344 = arith.constant 0 : i32
    %dma_start3A_345 = tpu.memref_slice %arg9[%dma_start3A_340, %dma_start3A_343, %dma_start3A_344] : memref<6x80x64xbf16, #tpu.memory_space<vmem>> -> memref<1x80x64xbf16, #tpu.memory_space<vmem>>
    %dma_start3A_346 = tpu.memref_squeeze %dma_start3A_345 : memref<1x80x64xbf16, #tpu.memory_space<vmem>> -> memref<80x64xbf16, #tpu.memory_space<vmem>>
    %dma_start3A_347 = arith.constant 0 : i32
    %dma_start3A_348 = tpu.memref_slice %arg8[%dma_start3A_341, %dma_start3A_347] : memref<125x80xi32, #tpu.memory_space<vmem>> -> memref<1x80xi32, #tpu.memory_space<vmem>>
    %dma_start3A_349 = tpu.memref_squeeze %dma_start3A_348 : memref<1x80xi32, #tpu.memory_space<vmem>> -> memref<80xi32, #tpu.memory_space<vmem>>
    %dma_start3A_350 = arith.constant 0 : i32
    %dma_start3A_351 = arith.constant 0 : i32
    %dma_start3A_352 = tpu.memref_slice %arg6[%dma_start3A_350, %dma_start3A_351] : memref<10240x64xbf16, #tpu.memory_space<vmem_shared>> -> memref<10240x64xbf16, #tpu.memory_space<vmem_shared>>
    %dma_start3A_353 = tpu.memref_slice %arg12[%dma_start3A_342] : memref<6x!tpu.dma_semaphore, #tpu.memory_space<semaphore_mem>> -> memref<1x!tpu.dma_semaphore, #tpu.memory_space<semaphore_mem>>
    %dma_start3A_354 = tpu.memref_squeeze %dma_start3A_353 : memref<1x!tpu.dma_semaphore, #tpu.memory_space<semaphore_mem>> -> memref<!tpu.dma_semaphore, #tpu.memory_space<semaphore_mem>>
    tpu.enqueue_indirect_dma source(%dma_start3A_346 : memref<80x64xbf16, #tpu.memory_space<vmem>>) target(%dma_start3A_352 : memref<10240x64xbf16, #tpu.memory_space<vmem_shared>>) offsets(%dma_start3A_349 : memref<80xi32, #tpu.memory_space<vmem>>) semaphore(%dma_start3A_354 : memref<!tpu.dma_semaphore, #tpu.memory_space<semaphore_mem>>) {add = true}
    %scan3A_355 = arith.constant 0 : i32
    %scan3A_356 = arith.constant 1 : i32
    %scan3A_357 = arith.constant 3 : i32
    %scan3A_358 = arith.constant 119 : i32
    %scan3A_359 = arith.addi %scan3A_357, %scan3A_358 : i32
    %scan3A_360 = arith.constant 1 : i32
    scf.for %scan3A_558 = %scan3A_357 to %scan3A_359 step %scan3A_360  : i32 {
      %add3A_559 = arith.constant 3 : i32
      %add3A_560 = arith.addi %scan3A_558, %add3A_559 : i32
      %rem3A = arith.constant 6 : i32
      %rem3A_561 = arith.remsi %add3A_560, %rem3A : i32
      %sub3A = arith.constant 3 : i32
      %sub3A_562 = arith.subi %scan3A_558, %sub3A : i32
      %dma_wait3A_563 = arith.constant 0 : i32
      %dma_wait3A_564 = arith.constant 0 : i32
      %dma_wait3A_565 = tpu.memref_slice %arg9[%rem3A_561, %dma_wait3A_563, %dma_wait3A_564] : memref<6x80x64xbf16, #tpu.memory_space<vmem>> -> memref<1x80x64xbf16, #tpu.memory_space<vmem>>
      %dma_wait3A_566 = tpu.memref_squeeze %dma_wait3A_565 : memref<1x80x64xbf16, #tpu.memory_space<vmem>> -> memref<80x64xbf16, #tpu.memory_space<vmem>>
      %dma_wait3A_567 = arith.constant 0 : i32
      %dma_wait3A_568 = tpu.memref_slice %arg8[%sub3A_562, %dma_wait3A_567] : memref<125x80xi32, #tpu.memory_space<vmem>> -> memref<1x80xi32, #tpu.memory_space<vmem>>
      %dma_wait3A_569 = tpu.memref_squeeze %dma_wait3A_568 : memref<1x80xi32, #tpu.memory_space<vmem>> -> memref<80xi32, #tpu.memory_space<vmem>>
      %dma_wait3A_570 = arith.constant 0 : i32
      %dma_wait3A_571 = arith.constant 0 : i32
      %dma_wait3A_572 = tpu.memref_slice %arg6[%dma_wait3A_570, %dma_wait3A_571] : memref<10240x64xbf16, #tpu.memory_space<vmem_shared>> -> memref<10240x64xbf16, #tpu.memory_space<vmem_shared>>
      %dma_wait3A_573 = tpu.memref_slice %arg12[%rem3A_561] : memref<6x!tpu.dma_semaphore, #tpu.memory_space<semaphore_mem>> -> memref<1x!tpu.dma_semaphore, #tpu.memory_space<semaphore_mem>>
      %dma_wait3A_574 = tpu.memref_squeeze %dma_wait3A_573 : memref<1x!tpu.dma_semaphore, #tpu.memory_space<semaphore_mem>> -> memref<!tpu.dma_semaphore, #tpu.memory_space<semaphore_mem>>
      tpu.wait_indirect_dma semaphore(%dma_wait3A_574 : memref<!tpu.dma_semaphore, #tpu.memory_space<semaphore_mem>>) src(%dma_wait3A_566 : memref<80x64xbf16, #tpu.memory_space<vmem>>) dst(%dma_wait3A_572 : memref<10240x64xbf16, #tpu.memory_space<vmem_shared>>)
      %add3A_575 = arith.constant 3 : i32
      %add3A_576 = arith.addi %scan3A_558, %add3A_575 : i32
      %dma_start3A_577 = arith.constant 0 : i32
      %dma_start3A_578 = arith.constant 0 : i32
      %dma_start3A_579 = tpu.memref_slice %arg9[%rem3A_561, %dma_start3A_577, %dma_start3A_578] : memref<6x80x64xbf16, #tpu.memory_space<vmem>> -> memref<1x80x64xbf16, #tpu.memory_space<vmem>>
      %dma_start3A_580 = tpu.memref_squeeze %dma_start3A_579 : memref<1x80x64xbf16, #tpu.memory_space<vmem>> -> memref<80x64xbf16, #tpu.memory_space<vmem>>
      %dma_start3A_581 = arith.constant 0 : i32
      %dma_start3A_582 = tpu.memref_slice %arg7[%add3A_576, %dma_start3A_581] : memref<125x80xi32, #tpu.memory_space<vmem>> -> memref<1x80xi32, #tpu.memory_space<vmem>>
      %dma_start3A_583 = tpu.memref_squeeze %dma_start3A_582 : memref<1x80xi32, #tpu.memory_space<vmem>> -> memref<80xi32, #tpu.memory_space<vmem>>
      %dma_start3A_584 = arith.constant 0 : i32
      %dma_start3A_585 = arith.constant 0 : i32
      %dma_start3A_586 = tpu.memref_slice %arg2[%scan3A_356, %dma_start3A_584, %dma_start3A_585] : memref<2x10000x64xbf16, #tpu.memory_space<hbm>> -> memref<1x10000x64xbf16, #tpu.memory_space<hbm>>
      %dma_start3A_587 = tpu.memref_squeeze %dma_start3A_586 : memref<1x10000x64xbf16, #tpu.memory_space<hbm>> -> memref<10000x64xbf16, #tpu.memory_space<hbm>>
      %dma_start3A_588 = arith.constant 0 : i32
      %dma_start3A_589 = arith.constant 0 : i32
      %dma_start3A_590 = tpu.memref_slice %dma_start3A_587[%dma_start3A_588, %dma_start3A_589] : memref<10000x64xbf16, #tpu.memory_space<hbm>> -> memref<10000x64xbf16, #tpu.memory_space<hbm>>
      %dma_start3A_591 = tpu.memref_slice %arg11[%rem3A_561] : memref<6x!tpu.dma_semaphore, #tpu.memory_space<semaphore_mem>> -> memref<1x!tpu.dma_semaphore, #tpu.memory_space<semaphore_mem>>
      %dma_start3A_592 = tpu.memref_squeeze %dma_start3A_591 : memref<1x!tpu.dma_semaphore, #tpu.memory_space<semaphore_mem>> -> memref<!tpu.dma_semaphore, #tpu.memory_space<semaphore_mem>>
      tpu.enqueue_indirect_dma source(%dma_start3A_590 : memref<10000x64xbf16, #tpu.memory_space<hbm>>) target(%dma_start3A_580 : memref<80x64xbf16, #tpu.memory_space<vmem>>) offsets(%dma_start3A_583 : memref<80xi32, #tpu.memory_space<vmem>>) semaphore(%dma_start3A_592 : memref<!tpu.dma_semaphore, #tpu.memory_space<semaphore_mem>>)
      %rem3A_593 = arith.constant 6 : i32
      %rem3A_594 = arith.remsi %scan3A_558, %rem3A_593 : i32
      %dma_wait3A_595 = arith.constant 0 : i32
      %dma_wait3A_596 = arith.constant 0 : i32
      %dma_wait3A_597 = tpu.memref_slice %arg9[%rem3A_594, %dma_wait3A_595, %dma_wait3A_596] : memref<6x80x64xbf16, #tpu.memory_space<vmem>> -> memref<1x80x64xbf16, #tpu.memory_space<vmem>>
      %dma_wait3A_598 = tpu.memref_squeeze %dma_wait3A_597 : memref<1x80x64xbf16, #tpu.memory_space<vmem>> -> memref<80x64xbf16, #tpu.memory_space<vmem>>
      %dma_wait3A_599 = arith.constant 0 : i32
      %dma_wait3A_600 = tpu.memref_slice %arg7[%scan3A_558, %dma_wait3A_599] : memref<125x80xi32, #tpu.memory_space<vmem>> -> memref<1x80xi32, #tpu.memory_space<vmem>>
      %dma_wait3A_601 = tpu.memref_squeeze %dma_wait3A_600 : memref<1x80xi32, #tpu.memory_space<vmem>> -> memref<80xi32, #tpu.memory_space<vmem>>
      %dma_wait3A_602 = arith.constant 0 : i32
      %dma_wait3A_603 = arith.constant 0 : i32
      %dma_wait3A_604 = tpu.memref_slice %arg2[%scan3A_356, %dma_wait3A_602, %dma_wait3A_603] : memref<2x10000x64xbf16, #tpu.memory_space<hbm>> -> memref<1x10000x64xbf16, #tpu.memory_space<hbm>>
      %dma_wait3A_605 = tpu.memref_squeeze %dma_wait3A_604 : memref<1x10000x64xbf16, #tpu.memory_space<hbm>> -> memref<10000x64xbf16, #tpu.memory_space<hbm>>
      %dma_wait3A_606 = arith.constant 0 : i32
      %dma_wait3A_607 = arith.constant 0 : i32
      %dma_wait3A_608 = tpu.memref_slice %dma_wait3A_605[%dma_wait3A_606, %dma_wait3A_607] : memref<10000x64xbf16, #tpu.memory_space<hbm>> -> memref<10000x64xbf16, #tpu.memory_space<hbm>>
      %dma_wait3A_609 = tpu.memref_slice %arg11[%rem3A_594] : memref<6x!tpu.dma_semaphore, #tpu.memory_space<semaphore_mem>> -> memref<1x!tpu.dma_semaphore, #tpu.memory_space<semaphore_mem>>
      %dma_wait3A_610 = tpu.memref_squeeze %dma_wait3A_609 : memref<1x!tpu.dma_semaphore, #tpu.memory_space<semaphore_mem>> -> memref<!tpu.dma_semaphore, #tpu.memory_space<semaphore_mem>>
      tpu.wait_indirect_dma semaphore(%dma_wait3A_610 : memref<!tpu.dma_semaphore, #tpu.memory_space<semaphore_mem>>) src(%dma_wait3A_608 : memref<10000x64xbf16, #tpu.memory_space<hbm>>) dst(%dma_wait3A_598 : memref<80x64xbf16, #tpu.memory_space<vmem>>)
      %dma_start3A_611 = arith.constant 0 : i32
      %dma_start3A_612 = arith.constant 0 : i32
      %dma_start3A_613 = tpu.memref_slice %arg9[%rem3A_594, %dma_start3A_611, %dma_start3A_612] : memref<6x80x64xbf16, #tpu.memory_space<vmem>> -> memref<1x80x64xbf16, #tpu.memory_space<vmem>>
      %dma_start3A_614 = tpu.memref_squeeze %dma_start3A_613 : memref<1x80x64xbf16, #tpu.memory_space<vmem>> -> memref<80x64xbf16, #tpu.memory_space<vmem>>
      %dma_start3A_615 = arith.constant 0 : i32
      %dma_start3A_616 = tpu.memref_slice %arg8[%scan3A_558, %dma_start3A_615] : memref<125x80xi32, #tpu.memory_space<vmem>> -> memref<1x80xi32, #tpu.memory_space<vmem>>
      %dma_start3A_617 = tpu.memref_squeeze %dma_start3A_616 : memref<1x80xi32, #tpu.memory_space<vmem>> -> memref<80xi32, #tpu.memory_space<vmem>>
      %dma_start3A_618 = arith.constant 0 : i32
      %dma_start3A_619 = arith.constant 0 : i32
      %dma_start3A_620 = tpu.memref_slice %arg6[%dma_start3A_618, %dma_start3A_619] : memref<10240x64xbf16, #tpu.memory_space<vmem_shared>> -> memref<10240x64xbf16, #tpu.memory_space<vmem_shared>>
      %dma_start3A_621 = tpu.memref_slice %arg12[%rem3A_594] : memref<6x!tpu.dma_semaphore, #tpu.memory_space<semaphore_mem>> -> memref<1x!tpu.dma_semaphore, #tpu.memory_space<semaphore_mem>>
      %dma_start3A_622 = tpu.memref_squeeze %dma_start3A_621 : memref<1x!tpu.dma_semaphore, #tpu.memory_space<semaphore_mem>> -> memref<!tpu.dma_semaphore, #tpu.memory_space<semaphore_mem>>
      tpu.enqueue_indirect_dma source(%dma_start3A_614 : memref<80x64xbf16, #tpu.memory_space<vmem>>) target(%dma_start3A_620 : memref<10240x64xbf16, #tpu.memory_space<vmem_shared>>) offsets(%dma_start3A_617 : memref<80xi32, #tpu.memory_space<vmem>>) semaphore(%dma_start3A_622 : memref<!tpu.dma_semaphore, #tpu.memory_space<semaphore_mem>>) {add = true}
    }
    %scan3A_361 = arith.constant 119 : i32
    %dma_wait3A_362 = arith.constant 5 : i32
    %dma_wait3A_363 = arith.constant 119 : i32
    %dma_wait3A_364 = arith.constant 5 : i32
    %dma_wait3A_365 = arith.constant 0 : i32
    %dma_wait3A_366 = arith.constant 0 : i32
    %dma_wait3A_367 = tpu.memref_slice %arg9[%dma_wait3A_362, %dma_wait3A_365, %dma_wait3A_366] : memref<6x80x64xbf16, #tpu.memory_space<vmem>> -> memref<1x80x64xbf16, #tpu.memory_space<vmem>>
    %dma_wait3A_368 = tpu.memref_squeeze %dma_wait3A_367 : memref<1x80x64xbf16, #tpu.memory_space<vmem>> -> memref<80x64xbf16, #tpu.memory_space<vmem>>
    %dma_wait3A_369 = arith.constant 0 : i32
    %dma_wait3A_370 = tpu.memref_slice %arg8[%dma_wait3A_363, %dma_wait3A_369] : memref<125x80xi32, #tpu.memory_space<vmem>> -> memref<1x80xi32, #tpu.memory_space<vmem>>
    %dma_wait3A_371 = tpu.memref_squeeze %dma_wait3A_370 : memref<1x80xi32, #tpu.memory_space<vmem>> -> memref<80xi32, #tpu.memory_space<vmem>>
    %dma_wait3A_372 = arith.constant 0 : i32
    %dma_wait3A_373 = arith.constant 0 : i32
    %dma_wait3A_374 = tpu.memref_slice %arg6[%dma_wait3A_372, %dma_wait3A_373] : memref<10240x64xbf16, #tpu.memory_space<vmem_shared>> -> memref<10240x64xbf16, #tpu.memory_space<vmem_shared>>
    %dma_wait3A_375 = tpu.memref_slice %arg12[%dma_wait3A_364] : memref<6x!tpu.dma_semaphore, #tpu.memory_space<semaphore_mem>> -> memref<1x!tpu.dma_semaphore, #tpu.memory_space<semaphore_mem>>
    %dma_wait3A_376 = tpu.memref_squeeze %dma_wait3A_375 : memref<1x!tpu.dma_semaphore, #tpu.memory_space<semaphore_mem>> -> memref<!tpu.dma_semaphore, #tpu.memory_space<semaphore_mem>>
    tpu.wait_indirect_dma semaphore(%dma_wait3A_376 : memref<!tpu.dma_semaphore, #tpu.memory_space<semaphore_mem>>) src(%dma_wait3A_368 : memref<80x64xbf16, #tpu.memory_space<vmem>>) dst(%dma_wait3A_374 : memref<10240x64xbf16, #tpu.memory_space<vmem_shared>>)
    %dma_wait3A_377 = arith.constant 1 : i32
    %dma_wait3A_378 = arith.constant 122 : i32
    %dma_wait3A_379 = arith.constant 2 : i32
    %dma_wait3A_380 = arith.constant 2 : i32
    %dma_wait3A_381 = arith.constant 0 : i32
    %dma_wait3A_382 = arith.constant 0 : i32
    %dma_wait3A_383 = tpu.memref_slice %arg9[%dma_wait3A_379, %dma_wait3A_381, %dma_wait3A_382] : memref<6x80x64xbf16, #tpu.memory_space<vmem>> -> memref<1x80x64xbf16, #tpu.memory_space<vmem>>
    %dma_wait3A_384 = tpu.memref_squeeze %dma_wait3A_383 : memref<1x80x64xbf16, #tpu.memory_space<vmem>> -> memref<80x64xbf16, #tpu.memory_space<vmem>>
    %dma_wait3A_385 = arith.constant 0 : i32
    %dma_wait3A_386 = tpu.memref_slice %arg7[%dma_wait3A_378, %dma_wait3A_385] : memref<125x80xi32, #tpu.memory_space<vmem>> -> memref<1x80xi32, #tpu.memory_space<vmem>>
    %dma_wait3A_387 = tpu.memref_squeeze %dma_wait3A_386 : memref<1x80xi32, #tpu.memory_space<vmem>> -> memref<80xi32, #tpu.memory_space<vmem>>
    %dma_wait3A_388 = arith.constant 0 : i32
    %dma_wait3A_389 = arith.constant 0 : i32
    %dma_wait3A_390 = tpu.memref_slice %arg2[%dma_wait3A_377, %dma_wait3A_388, %dma_wait3A_389] : memref<2x10000x64xbf16, #tpu.memory_space<hbm>> -> memref<1x10000x64xbf16, #tpu.memory_space<hbm>>
    %dma_wait3A_391 = tpu.memref_squeeze %dma_wait3A_390 : memref<1x10000x64xbf16, #tpu.memory_space<hbm>> -> memref<10000x64xbf16, #tpu.memory_space<hbm>>
    %dma_wait3A_392 = arith.constant 0 : i32
    %dma_wait3A_393 = arith.constant 0 : i32
    %dma_wait3A_394 = tpu.memref_slice %dma_wait3A_391[%dma_wait3A_392, %dma_wait3A_393] : memref<10000x64xbf16, #tpu.memory_space<hbm>> -> memref<10000x64xbf16, #tpu.memory_space<hbm>>
    %dma_wait3A_395 = tpu.memref_slice %arg11[%dma_wait3A_380] : memref<6x!tpu.dma_semaphore, #tpu.memory_space<semaphore_mem>> -> memref<1x!tpu.dma_semaphore, #tpu.memory_space<semaphore_mem>>
    %dma_wait3A_396 = tpu.memref_squeeze %dma_wait3A_395 : memref<1x!tpu.dma_semaphore, #tpu.memory_space<semaphore_mem>> -> memref<!tpu.dma_semaphore, #tpu.memory_space<semaphore_mem>>
    tpu.wait_indirect_dma semaphore(%dma_wait3A_396 : memref<!tpu.dma_semaphore, #tpu.memory_space<semaphore_mem>>) src(%dma_wait3A_394 : memref<10000x64xbf16, #tpu.memory_space<hbm>>) dst(%dma_wait3A_384 : memref<80x64xbf16, #tpu.memory_space<vmem>>)
    %dma_start3A_397 = arith.constant 2 : i32
    %dma_start3A_398 = arith.constant 122 : i32
    %dma_start3A_399 = arith.constant 2 : i32
    %dma_start3A_400 = arith.constant 0 : i32
    %dma_start3A_401 = arith.constant 0 : i32
    %dma_start3A_402 = tpu.memref_slice %arg9[%dma_start3A_397, %dma_start3A_400, %dma_start3A_401] : memref<6x80x64xbf16, #tpu.memory_space<vmem>> -> memref<1x80x64xbf16, #tpu.memory_space<vmem>>
    %dma_start3A_403 = tpu.memref_squeeze %dma_start3A_402 : memref<1x80x64xbf16, #tpu.memory_space<vmem>> -> memref<80x64xbf16, #tpu.memory_space<vmem>>
    %dma_start3A_404 = arith.constant 0 : i32
    %dma_start3A_405 = tpu.memref_slice %arg8[%dma_start3A_398, %dma_start3A_404] : memref<125x80xi32, #tpu.memory_space<vmem>> -> memref<1x80xi32, #tpu.memory_space<vmem>>
    %dma_start3A_406 = tpu.memref_squeeze %dma_start3A_405 : memref<1x80xi32, #tpu.memory_space<vmem>> -> memref<80xi32, #tpu.memory_space<vmem>>
    %dma_start3A_407 = arith.constant 0 : i32
    %dma_start3A_408 = arith.constant 0 : i32
    %dma_start3A_409 = tpu.memref_slice %arg6[%dma_start3A_407, %dma_start3A_408] : memref<10240x64xbf16, #tpu.memory_space<vmem_shared>> -> memref<10240x64xbf16, #tpu.memory_space<vmem_shared>>
    %dma_start3A_410 = tpu.memref_slice %arg12[%dma_start3A_399] : memref<6x!tpu.dma_semaphore, #tpu.memory_space<semaphore_mem>> -> memref<1x!tpu.dma_semaphore, #tpu.memory_space<semaphore_mem>>
    %dma_start3A_411 = tpu.memref_squeeze %dma_start3A_410 : memref<1x!tpu.dma_semaphore, #tpu.memory_space<semaphore_mem>> -> memref<!tpu.dma_semaphore, #tpu.memory_space<semaphore_mem>>
    tpu.enqueue_indirect_dma source(%dma_start3A_403 : memref<80x64xbf16, #tpu.memory_space<vmem>>) target(%dma_start3A_409 : memref<10240x64xbf16, #tpu.memory_space<vmem_shared>>) offsets(%dma_start3A_406 : memref<80xi32, #tpu.memory_space<vmem>>) semaphore(%dma_start3A_411 : memref<!tpu.dma_semaphore, #tpu.memory_space<semaphore_mem>>) {add = true}
    %dma_wait3A_412 = arith.constant 0 : i32
    %dma_wait3A_413 = arith.constant 120 : i32
    %dma_wait3A_414 = arith.constant 0 : i32
    %dma_wait3A_415 = arith.constant 0 : i32
    %dma_wait3A_416 = arith.constant 0 : i32
    %dma_wait3A_417 = tpu.memref_slice %arg9[%dma_wait3A_412, %dma_wait3A_415, %dma_wait3A_416] : memref<6x80x64xbf16, #tpu.memory_space<vmem>> -> memref<1x80x64xbf16, #tpu.memory_space<vmem>>
    %dma_wait3A_418 = tpu.memref_squeeze %dma_wait3A_417 : memref<1x80x64xbf16, #tpu.memory_space<vmem>> -> memref<80x64xbf16, #tpu.memory_space<vmem>>
    %dma_wait3A_419 = arith.constant 0 : i32
    %dma_wait3A_420 = tpu.memref_slice %arg8[%dma_wait3A_413, %dma_wait3A_419] : memref<125x80xi32, #tpu.memory_space<vmem>> -> memref<1x80xi32, #tpu.memory_space<vmem>>
    %dma_wait3A_421 = tpu.memref_squeeze %dma_wait3A_420 : memref<1x80xi32, #tpu.memory_space<vmem>> -> memref<80xi32, #tpu.memory_space<vmem>>
    %dma_wait3A_422 = arith.constant 0 : i32
    %dma_wait3A_423 = arith.constant 0 : i32
    %dma_wait3A_424 = tpu.memref_slice %arg6[%dma_wait3A_422, %dma_wait3A_423] : memref<10240x64xbf16, #tpu.memory_space<vmem_shared>> -> memref<10240x64xbf16, #tpu.memory_space<vmem_shared>>
    %dma_wait3A_425 = tpu.memref_slice %arg12[%dma_wait3A_414] : memref<6x!tpu.dma_semaphore, #tpu.memory_space<semaphore_mem>> -> memref<1x!tpu.dma_semaphore, #tpu.memory_space<semaphore_mem>>
    %dma_wait3A_426 = tpu.memref_squeeze %dma_wait3A_425 : memref<1x!tpu.dma_semaphore, #tpu.memory_space<semaphore_mem>> -> memref<!tpu.dma_semaphore, #tpu.memory_space<semaphore_mem>>
    tpu.wait_indirect_dma semaphore(%dma_wait3A_426 : memref<!tpu.dma_semaphore, #tpu.memory_space<semaphore_mem>>) src(%dma_wait3A_418 : memref<80x64xbf16, #tpu.memory_space<vmem>>) dst(%dma_wait3A_424 : memref<10240x64xbf16, #tpu.memory_space<vmem_shared>>)
    %dma_wait3A_427 = arith.constant 1 : i32
    %dma_wait3A_428 = arith.constant 123 : i32
    %dma_wait3A_429 = arith.constant 3 : i32
    %dma_wait3A_430 = arith.constant 3 : i32
    %dma_wait3A_431 = arith.constant 0 : i32
    %dma_wait3A_432 = arith.constant 0 : i32
    %dma_wait3A_433 = tpu.memref_slice %arg9[%dma_wait3A_429, %dma_wait3A_431, %dma_wait3A_432] : memref<6x80x64xbf16, #tpu.memory_space<vmem>> -> memref<1x80x64xbf16, #tpu.memory_space<vmem>>
    %dma_wait3A_434 = tpu.memref_squeeze %dma_wait3A_433 : memref<1x80x64xbf16, #tpu.memory_space<vmem>> -> memref<80x64xbf16, #tpu.memory_space<vmem>>
    %dma_wait3A_435 = arith.constant 0 : i32
    %dma_wait3A_436 = tpu.memref_slice %arg7[%dma_wait3A_428, %dma_wait3A_435] : memref<125x80xi32, #tpu.memory_space<vmem>> -> memref<1x80xi32, #tpu.memory_space<vmem>>
    %dma_wait3A_437 = tpu.memref_squeeze %dma_wait3A_436 : memref<1x80xi32, #tpu.memory_space<vmem>> -> memref<80xi32, #tpu.memory_space<vmem>>
    %dma_wait3A_438 = arith.constant 0 : i32
    %dma_wait3A_439 = arith.constant 0 : i32
    %dma_wait3A_440 = tpu.memref_slice %arg2[%dma_wait3A_427, %dma_wait3A_438, %dma_wait3A_439] : memref<2x10000x64xbf16, #tpu.memory_space<hbm>> -> memref<1x10000x64xbf16, #tpu.memory_space<hbm>>
    %dma_wait3A_441 = tpu.memref_squeeze %dma_wait3A_440 : memref<1x10000x64xbf16, #tpu.memory_space<hbm>> -> memref<10000x64xbf16, #tpu.memory_space<hbm>>
    %dma_wait3A_442 = arith.constant 0 : i32
    %dma_wait3A_443 = arith.constant 0 : i32
    %dma_wait3A_444 = tpu.memref_slice %dma_wait3A_441[%dma_wait3A_442, %dma_wait3A_443] : memref<10000x64xbf16, #tpu.memory_space<hbm>> -> memref<10000x64xbf16, #tpu.memory_space<hbm>>
    %dma_wait3A_445 = tpu.memref_slice %arg11[%dma_wait3A_430] : memref<6x!tpu.dma_semaphore, #tpu.memory_space<semaphore_mem>> -> memref<1x!tpu.dma_semaphore, #tpu.memory_space<semaphore_mem>>
    %dma_wait3A_446 = tpu.memref_squeeze %dma_wait3A_445 : memref<1x!tpu.dma_semaphore, #tpu.memory_space<semaphore_mem>> -> memref<!tpu.dma_semaphore, #tpu.memory_space<semaphore_mem>>
    tpu.wait_indirect_dma semaphore(%dma_wait3A_446 : memref<!tpu.dma_semaphore, #tpu.memory_space<semaphore_mem>>) src(%dma_wait3A_444 : memref<10000x64xbf16, #tpu.memory_space<hbm>>) dst(%dma_wait3A_434 : memref<80x64xbf16, #tpu.memory_space<vmem>>)
    %dma_start3A_447 = arith.constant 3 : i32
    %dma_start3A_448 = arith.constant 123 : i32
    %dma_start3A_449 = arith.constant 3 : i32
    %dma_start3A_450 = arith.constant 0 : i32
    %dma_start3A_451 = arith.constant 0 : i32
    %dma_start3A_452 = tpu.memref_slice %arg9[%dma_start3A_447, %dma_start3A_450, %dma_start3A_451] : memref<6x80x64xbf16, #tpu.memory_space<vmem>> -> memref<1x80x64xbf16, #tpu.memory_space<vmem>>
    %dma_start3A_453 = tpu.memref_squeeze %dma_start3A_452 : memref<1x80x64xbf16, #tpu.memory_space<vmem>> -> memref<80x64xbf16, #tpu.memory_space<vmem>>
    %dma_start3A_454 = arith.constant 0 : i32
    %dma_start3A_455 = tpu.memref_slice %arg8[%dma_start3A_448, %dma_start3A_454] : memref<125x80xi32, #tpu.memory_space<vmem>> -> memref<1x80xi32, #tpu.memory_space<vmem>>
    %dma_start3A_456 = tpu.memref_squeeze %dma_start3A_455 : memref<1x80xi32, #tpu.memory_space<vmem>> -> memref<80xi32, #tpu.memory_space<vmem>>
    %dma_start3A_457 = arith.constant 0 : i32
    %dma_start3A_458 = arith.constant 0 : i32
    %dma_start3A_459 = tpu.memref_slice %arg6[%dma_start3A_457, %dma_start3A_458] : memref<10240x64xbf16, #tpu.memory_space<vmem_shared>> -> memref<10240x64xbf16, #tpu.memory_space<vmem_shared>>
    %dma_start3A_460 = tpu.memref_slice %arg12[%dma_start3A_449] : memref<6x!tpu.dma_semaphore, #tpu.memory_space<semaphore_mem>> -> memref<1x!tpu.dma_semaphore, #tpu.memory_space<semaphore_mem>>
    %dma_start3A_461 = tpu.memref_squeeze %dma_start3A_460 : memref<1x!tpu.dma_semaphore, #tpu.memory_space<semaphore_mem>> -> memref<!tpu.dma_semaphore, #tpu.memory_space<semaphore_mem>>
    tpu.enqueue_indirect_dma source(%dma_start3A_453 : memref<80x64xbf16, #tpu.memory_space<vmem>>) target(%dma_start3A_459 : memref<10240x64xbf16, #tpu.memory_space<vmem_shared>>) offsets(%dma_start3A_456 : memref<80xi32, #tpu.memory_space<vmem>>) semaphore(%dma_start3A_461 : memref<!tpu.dma_semaphore, #tpu.memory_space<semaphore_mem>>) {add = true}
    %dma_wait3A_462 = arith.constant 1 : i32
    %dma_wait3A_463 = arith.constant 121 : i32
    %dma_wait3A_464 = arith.constant 1 : i32
    %dma_wait3A_465 = arith.constant 0 : i32
    %dma_wait3A_466 = arith.constant 0 : i32
    %dma_wait3A_467 = tpu.memref_slice %arg9[%dma_wait3A_462, %dma_wait3A_465, %dma_wait3A_466] : memref<6x80x64xbf16, #tpu.memory_space<vmem>> -> memref<1x80x64xbf16, #tpu.memory_space<vmem>>
    %dma_wait3A_468 = tpu.memref_squeeze %dma_wait3A_467 : memref<1x80x64xbf16, #tpu.memory_space<vmem>> -> memref<80x64xbf16, #tpu.memory_space<vmem>>
    %dma_wait3A_469 = arith.constant 0 : i32
    %dma_wait3A_470 = tpu.memref_slice %arg8[%dma_wait3A_463, %dma_wait3A_469] : memref<125x80xi32, #tpu.memory_space<vmem>> -> memref<1x80xi32, #tpu.memory_space<vmem>>
    %dma_wait3A_471 = tpu.memref_squeeze %dma_wait3A_470 : memref<1x80xi32, #tpu.memory_space<vmem>> -> memref<80xi32, #tpu.memory_space<vmem>>
    %dma_wait3A_472 = arith.constant 0 : i32
    %dma_wait3A_473 = arith.constant 0 : i32
    %dma_wait3A_474 = tpu.memref_slice %arg6[%dma_wait3A_472, %dma_wait3A_473] : memref<10240x64xbf16, #tpu.memory_space<vmem_shared>> -> memref<10240x64xbf16, #tpu.memory_space<vmem_shared>>
    %dma_wait3A_475 = tpu.memref_slice %arg12[%dma_wait3A_464] : memref<6x!tpu.dma_semaphore, #tpu.memory_space<semaphore_mem>> -> memref<1x!tpu.dma_semaphore, #tpu.memory_space<semaphore_mem>>
    %dma_wait3A_476 = tpu.memref_squeeze %dma_wait3A_475 : memref<1x!tpu.dma_semaphore, #tpu.memory_space<semaphore_mem>> -> memref<!tpu.dma_semaphore, #tpu.memory_space<semaphore_mem>>
    tpu.wait_indirect_dma semaphore(%dma_wait3A_476 : memref<!tpu.dma_semaphore, #tpu.memory_space<semaphore_mem>>) src(%dma_wait3A_468 : memref<80x64xbf16, #tpu.memory_space<vmem>>) dst(%dma_wait3A_474 : memref<10240x64xbf16, #tpu.memory_space<vmem_shared>>)
    %dma_wait3A_477 = arith.constant 1 : i32
    %dma_wait3A_478 = arith.constant 124 : i32
    %dma_wait3A_479 = arith.constant 4 : i32
    %dma_wait3A_480 = arith.constant 4 : i32
    %dma_wait3A_481 = arith.constant 0 : i32
    %dma_wait3A_482 = arith.constant 0 : i32
    %dma_wait3A_483 = tpu.memref_slice %arg9[%dma_wait3A_479, %dma_wait3A_481, %dma_wait3A_482] : memref<6x80x64xbf16, #tpu.memory_space<vmem>> -> memref<1x80x64xbf16, #tpu.memory_space<vmem>>
    %dma_wait3A_484 = tpu.memref_squeeze %dma_wait3A_483 : memref<1x80x64xbf16, #tpu.memory_space<vmem>> -> memref<80x64xbf16, #tpu.memory_space<vmem>>
    %dma_wait3A_485 = arith.constant 0 : i32
    %dma_wait3A_486 = tpu.memref_slice %arg7[%dma_wait3A_478, %dma_wait3A_485] : memref<125x80xi32, #tpu.memory_space<vmem>> -> memref<1x80xi32, #tpu.memory_space<vmem>>
    %dma_wait3A_487 = tpu.memref_squeeze %dma_wait3A_486 : memref<1x80xi32, #tpu.memory_space<vmem>> -> memref<80xi32, #tpu.memory_space<vmem>>
    %dma_wait3A_488 = arith.constant 0 : i32
    %dma_wait3A_489 = arith.constant 0 : i32
    %dma_wait3A_490 = tpu.memref_slice %arg2[%dma_wait3A_477, %dma_wait3A_488, %dma_wait3A_489] : memref<2x10000x64xbf16, #tpu.memory_space<hbm>> -> memref<1x10000x64xbf16, #tpu.memory_space<hbm>>
    %dma_wait3A_491 = tpu.memref_squeeze %dma_wait3A_490 : memref<1x10000x64xbf16, #tpu.memory_space<hbm>> -> memref<10000x64xbf16, #tpu.memory_space<hbm>>
    %dma_wait3A_492 = arith.constant 0 : i32
    %dma_wait3A_493 = arith.constant 0 : i32
    %dma_wait3A_494 = tpu.memref_slice %dma_wait3A_491[%dma_wait3A_492, %dma_wait3A_493] : memref<10000x64xbf16, #tpu.memory_space<hbm>> -> memref<10000x64xbf16, #tpu.memory_space<hbm>>
    %dma_wait3A_495 = tpu.memref_slice %arg11[%dma_wait3A_480] : memref<6x!tpu.dma_semaphore, #tpu.memory_space<semaphore_mem>> -> memref<1x!tpu.dma_semaphore, #tpu.memory_space<semaphore_mem>>
    %dma_wait3A_496 = tpu.memref_squeeze %dma_wait3A_495 : memref<1x!tpu.dma_semaphore, #tpu.memory_space<semaphore_mem>> -> memref<!tpu.dma_semaphore, #tpu.memory_space<semaphore_mem>>
    tpu.wait_indirect_dma semaphore(%dma_wait3A_496 : memref<!tpu.dma_semaphore, #tpu.memory_space<semaphore_mem>>) src(%dma_wait3A_494 : memref<10000x64xbf16, #tpu.memory_space<hbm>>) dst(%dma_wait3A_484 : memref<80x64xbf16, #tpu.memory_space<vmem>>)
    %dma_start3A_497 = arith.constant 4 : i32
    %dma_start3A_498 = arith.constant 124 : i32
    %dma_start3A_499 = arith.constant 4 : i32
    %dma_start3A_500 = arith.constant 0 : i32
    %dma_start3A_501 = arith.constant 0 : i32
    %dma_start3A_502 = tpu.memref_slice %arg9[%dma_start3A_497, %dma_start3A_500, %dma_start3A_501] : memref<6x80x64xbf16, #tpu.memory_space<vmem>> -> memref<1x80x64xbf16, #tpu.memory_space<vmem>>
    %dma_start3A_503 = tpu.memref_squeeze %dma_start3A_502 : memref<1x80x64xbf16, #tpu.memory_space<vmem>> -> memref<80x64xbf16, #tpu.memory_space<vmem>>
    %dma_start3A_504 = arith.constant 0 : i32
    %dma_start3A_505 = tpu.memref_slice %arg8[%dma_start3A_498, %dma_start3A_504] : memref<125x80xi32, #tpu.memory_space<vmem>> -> memref<1x80xi32, #tpu.memory_space<vmem>>
    %dma_start3A_506 = tpu.memref_squeeze %dma_start3A_505 : memref<1x80xi32, #tpu.memory_space<vmem>> -> memref<80xi32, #tpu.memory_space<vmem>>
    %dma_start3A_507 = arith.constant 0 : i32
    %dma_start3A_508 = arith.constant 0 : i32
    %dma_start3A_509 = tpu.memref_slice %arg6[%dma_start3A_507, %dma_start3A_508] : memref<10240x64xbf16, #tpu.memory_space<vmem_shared>> -> memref<10240x64xbf16, #tpu.memory_space<vmem_shared>>
    %dma_start3A_510 = tpu.memref_slice %arg12[%dma_start3A_499] : memref<6x!tpu.dma_semaphore, #tpu.memory_space<semaphore_mem>> -> memref<1x!tpu.dma_semaphore, #tpu.memory_space<semaphore_mem>>
    %dma_start3A_511 = tpu.memref_squeeze %dma_start3A_510 : memref<1x!tpu.dma_semaphore, #tpu.memory_space<semaphore_mem>> -> memref<!tpu.dma_semaphore, #tpu.memory_space<semaphore_mem>>
    tpu.enqueue_indirect_dma source(%dma_start3A_503 : memref<80x64xbf16, #tpu.memory_space<vmem>>) target(%dma_start3A_509 : memref<10240x64xbf16, #tpu.memory_space<vmem_shared>>) offsets(%dma_start3A_506 : memref<80xi32, #tpu.memory_space<vmem>>) semaphore(%dma_start3A_511 : memref<!tpu.dma_semaphore, #tpu.memory_space<semaphore_mem>>) {add = true}
    %dma_wait3A_512 = arith.constant 2 : i32
    %dma_wait3A_513 = arith.constant 122 : i32
    %dma_wait3A_514 = arith.constant 2 : i32
    %dma_wait3A_515 = arith.constant 0 : i32
    %dma_wait3A_516 = arith.constant 0 : i32
    %dma_wait3A_517 = tpu.memref_slice %arg9[%dma_wait3A_512, %dma_wait3A_515, %dma_wait3A_516] : memref<6x80x64xbf16, #tpu.memory_space<vmem>> -> memref<1x80x64xbf16, #tpu.memory_space<vmem>>
    %dma_wait3A_518 = tpu.memref_squeeze %dma_wait3A_517 : memref<1x80x64xbf16, #tpu.memory_space<vmem>> -> memref<80x64xbf16, #tpu.memory_space<vmem>>
    %dma_wait3A_519 = arith.constant 0 : i32
    %dma_wait3A_520 = tpu.memref_slice %arg8[%dma_wait3A_513, %dma_wait3A_519] : memref<125x80xi32, #tpu.memory_space<vmem>> -> memref<1x80xi32, #tpu.memory_space<vmem>>
    %dma_wait3A_521 = tpu.memref_squeeze %dma_wait3A_520 : memref<1x80xi32, #tpu.memory_space<vmem>> -> memref<80xi32, #tpu.memory_space<vmem>>
    %dma_wait3A_522 = arith.constant 0 : i32
    %dma_wait3A_523 = arith.constant 0 : i32
    %dma_wait3A_524 = tpu.memref_slice %arg6[%dma_wait3A_522, %dma_wait3A_523] : memref<10240x64xbf16, #tpu.memory_space<vmem_shared>> -> memref<10240x64xbf16, #tpu.memory_space<vmem_shared>>
    %dma_wait3A_525 = tpu.memref_slice %arg12[%dma_wait3A_514] : memref<6x!tpu.dma_semaphore, #tpu.memory_space<semaphore_mem>> -> memref<1x!tpu.dma_semaphore, #tpu.memory_space<semaphore_mem>>
    %dma_wait3A_526 = tpu.memref_squeeze %dma_wait3A_525 : memref<1x!tpu.dma_semaphore, #tpu.memory_space<semaphore_mem>> -> memref<!tpu.dma_semaphore, #tpu.memory_space<semaphore_mem>>
    tpu.wait_indirect_dma semaphore(%dma_wait3A_526 : memref<!tpu.dma_semaphore, #tpu.memory_space<semaphore_mem>>) src(%dma_wait3A_518 : memref<80x64xbf16, #tpu.memory_space<vmem>>) dst(%dma_wait3A_524 : memref<10240x64xbf16, #tpu.memory_space<vmem_shared>>)
    %dma_wait3A_527 = arith.constant 3 : i32
    %dma_wait3A_528 = arith.constant 123 : i32
    %dma_wait3A_529 = arith.constant 3 : i32
    %dma_wait3A_530 = arith.constant 0 : i32
    %dma_wait3A_531 = arith.constant 0 : i32
    %dma_wait3A_532 = tpu.memref_slice %arg9[%dma_wait3A_527, %dma_wait3A_530, %dma_wait3A_531] : memref<6x80x64xbf16, #tpu.memory_space<vmem>> -> memref<1x80x64xbf16, #tpu.memory_space<vmem>>
    %dma_wait3A_533 = tpu.memref_squeeze %dma_wait3A_532 : memref<1x80x64xbf16, #tpu.memory_space<vmem>> -> memref<80x64xbf16, #tpu.memory_space<vmem>>
    %dma_wait3A_534 = arith.constant 0 : i32
    %dma_wait3A_535 = tpu.memref_slice %arg8[%dma_wait3A_528, %dma_wait3A_534] : memref<125x80xi32, #tpu.memory_space<vmem>> -> memref<1x80xi32, #tpu.memory_space<vmem>>
    %dma_wait3A_536 = tpu.memref_squeeze %dma_wait3A_535 : memref<1x80xi32, #tpu.memory_space<vmem>> -> memref<80xi32, #tpu.memory_space<vmem>>
    %dma_wait3A_537 = arith.constant 0 : i32
    %dma_wait3A_538 = arith.constant 0 : i32
    %dma_wait3A_539 = tpu.memref_slice %arg6[%dma_wait3A_537, %dma_wait3A_538] : memref<10240x64xbf16, #tpu.memory_space<vmem_shared>> -> memref<10240x64xbf16, #tpu.memory_space<vmem_shared>>
    %dma_wait3A_540 = tpu.memref_slice %arg12[%dma_wait3A_529] : memref<6x!tpu.dma_semaphore, #tpu.memory_space<semaphore_mem>> -> memref<1x!tpu.dma_semaphore, #tpu.memory_space<semaphore_mem>>
    %dma_wait3A_541 = tpu.memref_squeeze %dma_wait3A_540 : memref<1x!tpu.dma_semaphore, #tpu.memory_space<semaphore_mem>> -> memref<!tpu.dma_semaphore, #tpu.memory_space<semaphore_mem>>
    tpu.wait_indirect_dma semaphore(%dma_wait3A_541 : memref<!tpu.dma_semaphore, #tpu.memory_space<semaphore_mem>>) src(%dma_wait3A_533 : memref<80x64xbf16, #tpu.memory_space<vmem>>) dst(%dma_wait3A_539 : memref<10240x64xbf16, #tpu.memory_space<vmem_shared>>)
    %dma_wait3A_542 = arith.constant 4 : i32
    %dma_wait3A_543 = arith.constant 124 : i32
    %dma_wait3A_544 = arith.constant 4 : i32
    %dma_wait3A_545 = arith.constant 0 : i32
    %dma_wait3A_546 = arith.constant 0 : i32
    %dma_wait3A_547 = tpu.memref_slice %arg9[%dma_wait3A_542, %dma_wait3A_545, %dma_wait3A_546] : memref<6x80x64xbf16, #tpu.memory_space<vmem>> -> memref<1x80x64xbf16, #tpu.memory_space<vmem>>
    %dma_wait3A_548 = tpu.memref_squeeze %dma_wait3A_547 : memref<1x80x64xbf16, #tpu.memory_space<vmem>> -> memref<80x64xbf16, #tpu.memory_space<vmem>>
    %dma_wait3A_549 = arith.constant 0 : i32
    %dma_wait3A_550 = tpu.memref_slice %arg8[%dma_wait3A_543, %dma_wait3A_549] : memref<125x80xi32, #tpu.memory_space<vmem>> -> memref<1x80xi32, #tpu.memory_space<vmem>>
    %dma_wait3A_551 = tpu.memref_squeeze %dma_wait3A_550 : memref<1x80xi32, #tpu.memory_space<vmem>> -> memref<80xi32, #tpu.memory_space<vmem>>
    %dma_wait3A_552 = arith.constant 0 : i32
    %dma_wait3A_553 = arith.constant 0 : i32
    %dma_wait3A_554 = tpu.memref_slice %arg6[%dma_wait3A_552, %dma_wait3A_553] : memref<10240x64xbf16, #tpu.memory_space<vmem_shared>> -> memref<10240x64xbf16, #tpu.memory_space<vmem_shared>>
    %dma_wait3A_555 = tpu.memref_slice %arg12[%dma_wait3A_544] : memref<6x!tpu.dma_semaphore, #tpu.memory_space<semaphore_mem>> -> memref<1x!tpu.dma_semaphore, #tpu.memory_space<semaphore_mem>>
    %dma_wait3A_556 = tpu.memref_squeeze %dma_wait3A_555 : memref<1x!tpu.dma_semaphore, #tpu.memory_space<semaphore_mem>> -> memref<!tpu.dma_semaphore, #tpu.memory_space<semaphore_mem>>
    tpu.wait_indirect_dma semaphore(%dma_wait3A_556 : memref<!tpu.dma_semaphore, #tpu.memory_space<semaphore_mem>>) src(%dma_wait3A_548 : memref<80x64xbf16, #tpu.memory_space<vmem>>) dst(%dma_wait3A_554 : memref<10240x64xbf16, #tpu.memory_space<vmem_shared>>)
    %barrier3A_557 = arith.constant 0 : index
    tpu.barrier barrier_id(%barrier3A_557)
    "tpu.region"() ({
      %run_scoped3A = tpu.sem_alloc : memref<!tpu.dma_semaphore, #tpu.memory_space<semaphore_mem>>
      %dma_start3A_558 = arith.constant 0 : i32
      %dma_start3A_559 = tpu.memref_slice %arg5[%arg0, %mul3A_2, %dma_start3A_558] : memref<2x10240x64xbf16, #tpu.memory_space<hbm>> -> memref<1x640x64xbf16, #tpu.memory_space<hbm>>
      %dma_start3A_560 = tpu.memref_squeeze %dma_start3A_559 : memref<1x640x64xbf16, #tpu.memory_space<hbm>> -> memref<640x64xbf16, #tpu.memory_space<hbm>>
      %dma_start3A_561 = arith.constant 0 : i32
      %dma_start3A_562 = tpu.memref_slice %arg6[%mul3A_2, %dma_start3A_561] : memref<10240x64xbf16, #tpu.memory_space<vmem_shared>> -> memref<640x64xbf16, #tpu.memory_space<vmem_shared>>
      tpu.enqueue_dma source(%dma_start3A_562 : memref<640x64xbf16, #tpu.memory_space<vmem_shared>>) target(%dma_start3A_560 : memref<640x64xbf16, #tpu.memory_space<hbm>>) target_semaphore(%run_scoped3A : memref<!tpu.dma_semaphore, #tpu.memory_space<semaphore_mem>>)
      %dma_wait3A_563 = arith.constant 0 : i32
      %dma_wait3A_564 = tpu.memref_slice %arg5[%arg0, %mul3A_2, %dma_wait3A_563] : memref<2x10240x64xbf16, #tpu.memory_space<hbm>> -> memref<1x640x64xbf16, #tpu.memory_space<hbm>>
      %dma_wait3A_565 = tpu.memref_squeeze %dma_wait3A_564 : memref<1x640x64xbf16, #tpu.memory_space<hbm>> -> memref<640x64xbf16, #tpu.memory_space<hbm>>
      %dma_wait3A_566 = arith.constant 0 : i32
      %dma_wait3A_567 = tpu.memref_slice %arg6[%mul3A_2, %dma_wait3A_566] : memref<10240x64xbf16, #tpu.memory_space<vmem_shared>> -> memref<640x64xbf16, #tpu.memory_space<vmem_shared>>
      tpu.wait_dma2 semaphore(%run_scoped3A : memref<!tpu.dma_semaphore, #tpu.memory_space<semaphore_mem>>) src(%dma_wait3A_567 : memref<640x64xbf16, #tpu.memory_space<vmem_shared>>) dst(%dma_wait3A_565 : memref<640x64xbf16, #tpu.memory_space<hbm>>)
      tpu.yield
    }) : () -> ()
    return
  }
}

#map = affine_map<(d0, d1) -> (0, 0, 0)>
#map1 = affine_map<(d0, d1) -> (0)>
#map2 = affine_map<(d0, d1) -> (0, 0)>
module attributes {stable_mosaic.version = 14 : i64} {
  func.func @_final_body(%arg0: i32, %arg1: i32, %arg2: memref<2x10000x64xbf16, #tpu.memory_space<hbm>>, %arg3: memref<32xbf16, #tpu.memory_space<hbm>>, %arg4: memref<2x10240x64xbf16, #tpu.memory_space<hbm>>, %arg5: memref<10000x32xbf16, #tpu.memory_space<hbm>>, %arg6: memref<320x64xbf16, #tpu.memory_space<vmem>>, %arg7: memref<320x64xbf16, #tpu.memory_space<vmem>>, %arg8: memref<320x64xbf16, #tpu.memory_space<vmem>>, %arg9: memref<32xbf16, #tpu.memory_space<vmem>>, %arg10: memref<320x32xbf16, #tpu.memory_space<vmem>>, %arg11: memref<4x!tpu.dma_semaphore, #tpu.memory_space<semaphore_mem>>) attributes {dimension_semantics = [#tpu.dimension_semantics<core_parallel>, #tpu.dimension_semantics<subcore_parallel>], iteration_bounds = array<i64: 2, 16>, scalar_prefetch = 0 : i64, scratch_operands = 6 : i64, tpu.core_type = #tpu.core_type<sc_vector_subcore>, window_params = [{transform_indices = #map}, {transform_indices = #map1}, {transform_indices = #map}, {transform_indices = #map2}]} {
    %mul3A = arith.constant 16 : i32
    %mul3A_0 = arith.muli %arg0, %mul3A : i32
    %add3A = arith.addi %mul3A_0, %arg1 : i32
    %mul3A_1 = arith.constant 320 : i32
    %mul3A_2 = arith.muli %add3A, %mul3A_1 : i32
    %min3A = arith.constant 9680 : i32
    %min3A_3 = arith.minsi %mul3A_2, %min3A : i32
    %dma_start3A = arith.constant 0 : i32
    %dma_start3A_4 = arith.constant 0 : i32
    %dma_start3A_5 = arith.constant 0 : i32
    %dma_start3A_6 = tpu.memref_slice %arg2[%dma_start3A, %min3A_3, %dma_start3A_5] : memref<2x10000x64xbf16, #tpu.memory_space<hbm>> -> memref<1x320x64xbf16, #tpu.memory_space<hbm>>
    %dma_start3A_7 = tpu.memref_squeeze %dma_start3A_6 : memref<1x320x64xbf16, #tpu.memory_space<hbm>> -> memref<320x64xbf16, #tpu.memory_space<hbm>>
    %dma_start3A_8 = tpu.memref_slice %arg11[%dma_start3A_4] : memref<4x!tpu.dma_semaphore, #tpu.memory_space<semaphore_mem>> -> memref<1x!tpu.dma_semaphore, #tpu.memory_space<semaphore_mem>>
    %dma_start3A_9 = tpu.memref_squeeze %dma_start3A_8 : memref<1x!tpu.dma_semaphore, #tpu.memory_space<semaphore_mem>> -> memref<!tpu.dma_semaphore, #tpu.memory_space<semaphore_mem>>
    %dma_start3A_10 = arith.constant 0 : i32
    %dma_start3A_11 = tpu.memref_slice %arg2[%dma_start3A, %min3A_3, %dma_start3A_10] : memref<2x10000x64xbf16, #tpu.memory_space<hbm>> -> memref<1x320x64xbf16, #tpu.memory_space<hbm>>
    %dma_start3A_12 = tpu.memref_squeeze %dma_start3A_11 : memref<1x320x64xbf16, #tpu.memory_space<hbm>> -> memref<320x64xbf16, #tpu.memory_space<hbm>>
    tpu.enqueue_dma source(%dma_start3A_12 : memref<320x64xbf16, #tpu.memory_space<hbm>>) target(%arg6 : memref<320x64xbf16, #tpu.memory_space<vmem>>) target_semaphore(%dma_start3A_9 : memref<!tpu.dma_semaphore, #tpu.memory_space<semaphore_mem>>)
    %dma_start3A_13 = arith.constant 0 : i32
    %dma_start3A_14 = arith.constant 1 : i32
    %dma_start3A_15 = arith.constant 0 : i32
    %dma_start3A_16 = tpu.memref_slice %arg4[%dma_start3A_13, %min3A_3, %dma_start3A_15] : memref<2x10240x64xbf16, #tpu.memory_space<hbm>> -> memref<1x320x64xbf16, #tpu.memory_space<hbm>>
    %dma_start3A_17 = tpu.memref_squeeze %dma_start3A_16 : memref<1x320x64xbf16, #tpu.memory_space<hbm>> -> memref<320x64xbf16, #tpu.memory_space<hbm>>
    %dma_start3A_18 = tpu.memref_slice %arg11[%dma_start3A_14] : memref<4x!tpu.dma_semaphore, #tpu.memory_space<semaphore_mem>> -> memref<1x!tpu.dma_semaphore, #tpu.memory_space<semaphore_mem>>
    %dma_start3A_19 = tpu.memref_squeeze %dma_start3A_18 : memref<1x!tpu.dma_semaphore, #tpu.memory_space<semaphore_mem>> -> memref<!tpu.dma_semaphore, #tpu.memory_space<semaphore_mem>>
    %dma_start3A_20 = arith.constant 0 : i32
    %dma_start3A_21 = tpu.memref_slice %arg4[%dma_start3A_13, %min3A_3, %dma_start3A_20] : memref<2x10240x64xbf16, #tpu.memory_space<hbm>> -> memref<1x320x64xbf16, #tpu.memory_space<hbm>>
    %dma_start3A_22 = tpu.memref_squeeze %dma_start3A_21 : memref<1x320x64xbf16, #tpu.memory_space<hbm>> -> memref<320x64xbf16, #tpu.memory_space<hbm>>
    tpu.enqueue_dma source(%dma_start3A_22 : memref<320x64xbf16, #tpu.memory_space<hbm>>) target(%arg7 : memref<320x64xbf16, #tpu.memory_space<vmem>>) target_semaphore(%dma_start3A_19 : memref<!tpu.dma_semaphore, #tpu.memory_space<semaphore_mem>>)
    %dma_start3A_23 = arith.constant 1 : i32
    %dma_start3A_24 = arith.constant 2 : i32
    %dma_start3A_25 = arith.constant 0 : i32
    %dma_start3A_26 = tpu.memref_slice %arg4[%dma_start3A_23, %min3A_3, %dma_start3A_25] : memref<2x10240x64xbf16, #tpu.memory_space<hbm>> -> memref<1x320x64xbf16, #tpu.memory_space<hbm>>
    %dma_start3A_27 = tpu.memref_squeeze %dma_start3A_26 : memref<1x320x64xbf16, #tpu.memory_space<hbm>> -> memref<320x64xbf16, #tpu.memory_space<hbm>>
    %dma_start3A_28 = tpu.memref_slice %arg11[%dma_start3A_24] : memref<4x!tpu.dma_semaphore, #tpu.memory_space<semaphore_mem>> -> memref<1x!tpu.dma_semaphore, #tpu.memory_space<semaphore_mem>>
    %dma_start3A_29 = tpu.memref_squeeze %dma_start3A_28 : memref<1x!tpu.dma_semaphore, #tpu.memory_space<semaphore_mem>> -> memref<!tpu.dma_semaphore, #tpu.memory_space<semaphore_mem>>
    %dma_start3A_30 = arith.constant 0 : i32
    %dma_start3A_31 = tpu.memref_slice %arg4[%dma_start3A_23, %min3A_3, %dma_start3A_30] : memref<2x10240x64xbf16, #tpu.memory_space<hbm>> -> memref<1x320x64xbf16, #tpu.memory_space<hbm>>
    %dma_start3A_32 = tpu.memref_squeeze %dma_start3A_31 : memref<1x320x64xbf16, #tpu.memory_space<hbm>> -> memref<320x64xbf16, #tpu.memory_space<hbm>>
    tpu.enqueue_dma source(%dma_start3A_32 : memref<320x64xbf16, #tpu.memory_space<hbm>>) target(%arg8 : memref<320x64xbf16, #tpu.memory_space<vmem>>) target_semaphore(%dma_start3A_29 : memref<!tpu.dma_semaphore, #tpu.memory_space<semaphore_mem>>)
    %dma_start3A_33 = arith.constant 3 : i32
    %dma_start3A_34 = tpu.memref_slice %arg11[%dma_start3A_33] : memref<4x!tpu.dma_semaphore, #tpu.memory_space<semaphore_mem>> -> memref<1x!tpu.dma_semaphore, #tpu.memory_space<semaphore_mem>>
    %dma_start3A_35 = tpu.memref_squeeze %dma_start3A_34 : memref<1x!tpu.dma_semaphore, #tpu.memory_space<semaphore_mem>> -> memref<!tpu.dma_semaphore, #tpu.memory_space<semaphore_mem>>
    tpu.enqueue_dma source(%arg3 : memref<32xbf16, #tpu.memory_space<hbm>>) target(%arg9 : memref<32xbf16, #tpu.memory_space<vmem>>) target_semaphore(%dma_start3A_35 : memref<!tpu.dma_semaphore, #tpu.memory_space<semaphore_mem>>)
    %dma_wait3A = arith.constant 0 : i32
    %dma_wait3A_36 = arith.constant 0 : i32
    %dma_wait3A_37 = arith.constant 0 : i32
    %dma_wait3A_38 = tpu.memref_slice %arg2[%dma_wait3A, %min3A_3, %dma_wait3A_37] : memref<2x10000x64xbf16, #tpu.memory_space<hbm>> -> memref<1x320x64xbf16, #tpu.memory_space<hbm>>
    %dma_wait3A_39 = tpu.memref_squeeze %dma_wait3A_38 : memref<1x320x64xbf16, #tpu.memory_space<hbm>> -> memref<320x64xbf16, #tpu.memory_space<hbm>>
    %dma_wait3A_40 = tpu.memref_slice %arg11[%dma_wait3A_36] : memref<4x!tpu.dma_semaphore, #tpu.memory_space<semaphore_mem>> -> memref<1x!tpu.dma_semaphore, #tpu.memory_space<semaphore_mem>>
    %dma_wait3A_41 = tpu.memref_squeeze %dma_wait3A_40 : memref<1x!tpu.dma_semaphore, #tpu.memory_space<semaphore_mem>> -> memref<!tpu.dma_semaphore, #tpu.memory_space<semaphore_mem>>
    %dma_wait3A_42 = arith.constant 0 : i32
    %dma_wait3A_43 = tpu.memref_slice %arg2[%dma_wait3A, %min3A_3, %dma_wait3A_42] : memref<2x10000x64xbf16, #tpu.memory_space<hbm>> -> memref<1x320x64xbf16, #tpu.memory_space<hbm>>
    %dma_wait3A_44 = tpu.memref_squeeze %dma_wait3A_43 : memref<1x320x64xbf16, #tpu.memory_space<hbm>> -> memref<320x64xbf16, #tpu.memory_space<hbm>>
    tpu.wait_dma2 semaphore(%dma_wait3A_41 : memref<!tpu.dma_semaphore, #tpu.memory_space<semaphore_mem>>) src(%dma_wait3A_44 : memref<320x64xbf16, #tpu.memory_space<hbm>>) dst(%arg6 : memref<320x64xbf16, #tpu.memory_space<vmem>>)
    %dma_wait3A_45 = arith.constant 0 : i32
    %dma_wait3A_46 = arith.constant 1 : i32
    %dma_wait3A_47 = arith.constant 0 : i32
    %dma_wait3A_48 = tpu.memref_slice %arg4[%dma_wait3A_45, %min3A_3, %dma_wait3A_47] : memref<2x10240x64xbf16, #tpu.memory_space<hbm>> -> memref<1x320x64xbf16, #tpu.memory_space<hbm>>
    %dma_wait3A_49 = tpu.memref_squeeze %dma_wait3A_48 : memref<1x320x64xbf16, #tpu.memory_space<hbm>> -> memref<320x64xbf16, #tpu.memory_space<hbm>>
    %dma_wait3A_50 = tpu.memref_slice %arg11[%dma_wait3A_46] : memref<4x!tpu.dma_semaphore, #tpu.memory_space<semaphore_mem>> -> memref<1x!tpu.dma_semaphore, #tpu.memory_space<semaphore_mem>>
    %dma_wait3A_51 = tpu.memref_squeeze %dma_wait3A_50 : memref<1x!tpu.dma_semaphore, #tpu.memory_space<semaphore_mem>> -> memref<!tpu.dma_semaphore, #tpu.memory_space<semaphore_mem>>
    %dma_wait3A_52 = arith.constant 0 : i32
    %dma_wait3A_53 = tpu.memref_slice %arg4[%dma_wait3A_45, %min3A_3, %dma_wait3A_52] : memref<2x10240x64xbf16, #tpu.memory_space<hbm>> -> memref<1x320x64xbf16, #tpu.memory_space<hbm>>
    %dma_wait3A_54 = tpu.memref_squeeze %dma_wait3A_53 : memref<1x320x64xbf16, #tpu.memory_space<hbm>> -> memref<320x64xbf16, #tpu.memory_space<hbm>>
    tpu.wait_dma2 semaphore(%dma_wait3A_51 : memref<!tpu.dma_semaphore, #tpu.memory_space<semaphore_mem>>) src(%dma_wait3A_54 : memref<320x64xbf16, #tpu.memory_space<hbm>>) dst(%arg7 : memref<320x64xbf16, #tpu.memory_space<vmem>>)
    %dma_wait3A_55 = arith.constant 1 : i32
    %dma_wait3A_56 = arith.constant 2 : i32
    %dma_wait3A_57 = arith.constant 0 : i32
    %dma_wait3A_58 = tpu.memref_slice %arg4[%dma_wait3A_55, %min3A_3, %dma_wait3A_57] : memref<2x10240x64xbf16, #tpu.memory_space<hbm>> -> memref<1x320x64xbf16, #tpu.memory_space<hbm>>
    %dma_wait3A_59 = tpu.memref_squeeze %dma_wait3A_58 : memref<1x320x64xbf16, #tpu.memory_space<hbm>> -> memref<320x64xbf16, #tpu.memory_space<hbm>>
    %dma_wait3A_60 = tpu.memref_slice %arg11[%dma_wait3A_56] : memref<4x!tpu.dma_semaphore, #tpu.memory_space<semaphore_mem>> -> memref<1x!tpu.dma_semaphore, #tpu.memory_space<semaphore_mem>>
    %dma_wait3A_61 = tpu.memref_squeeze %dma_wait3A_60 : memref<1x!tpu.dma_semaphore, #tpu.memory_space<semaphore_mem>> -> memref<!tpu.dma_semaphore, #tpu.memory_space<semaphore_mem>>
    %dma_wait3A_62 = arith.constant 0 : i32
    %dma_wait3A_63 = tpu.memref_slice %arg4[%dma_wait3A_55, %min3A_3, %dma_wait3A_62] : memref<2x10240x64xbf16, #tpu.memory_space<hbm>> -> memref<1x320x64xbf16, #tpu.memory_space<hbm>>
    %dma_wait3A_64 = tpu.memref_squeeze %dma_wait3A_63 : memref<1x320x64xbf16, #tpu.memory_space<hbm>> -> memref<320x64xbf16, #tpu.memory_space<hbm>>
    tpu.wait_dma2 semaphore(%dma_wait3A_61 : memref<!tpu.dma_semaphore, #tpu.memory_space<semaphore_mem>>) src(%dma_wait3A_64 : memref<320x64xbf16, #tpu.memory_space<hbm>>) dst(%arg8 : memref<320x64xbf16, #tpu.memory_space<vmem>>)
    %dma_wait3A_65 = arith.constant 3 : i32
    %dma_wait3A_66 = tpu.memref_slice %arg11[%dma_wait3A_65] : memref<4x!tpu.dma_semaphore, #tpu.memory_space<semaphore_mem>> -> memref<1x!tpu.dma_semaphore, #tpu.memory_space<semaphore_mem>>
    %dma_wait3A_67 = tpu.memref_squeeze %dma_wait3A_66 : memref<1x!tpu.dma_semaphore, #tpu.memory_space<semaphore_mem>> -> memref<!tpu.dma_semaphore, #tpu.memory_space<semaphore_mem>>
    tpu.wait_dma2 semaphore(%dma_wait3A_67 : memref<!tpu.dma_semaphore, #tpu.memory_space<semaphore_mem>>) src(%arg3 : memref<32xbf16, #tpu.memory_space<hbm>>) dst(%arg9 : memref<32xbf16, #tpu.memory_space<vmem>>)
    %broadcast_in_dim3A = arith.constant 0.000000e+00 : bf16
    %broadcast_in_dim3A_68 = vector.broadcast %broadcast_in_dim3A : bf16 to vector<32xbf16>
    %broadcast_in_dim3A_69 = arith.constant 1.000000e+00 : bf16
    %broadcast_in_dim3A_70 = vector.broadcast %broadcast_in_dim3A_69 : bf16 to vector<32xbf16>
    %broadcast_in_dim3A_71 = arith.constant 3.007810e-01 : bf16
    %broadcast_in_dim3A_72 = vector.broadcast %broadcast_in_dim3A_71 : bf16 to vector<32xbf16>
    %scan3A = arith.constant 0 : i32
    %scan3A_73 = arith.constant 0 : i32
    %scan3A_74 = arith.constant 320 : i32
    %scan3A_75 = arith.addi %scan3A_73, %scan3A_74 : i32
    %scan3A_76 = arith.constant 1 : i32
    scf.for %scan3A_78 = %scan3A_73 to %scan3A_75 step %scan3A_76  : i32 {
      %get3A = arith.index_cast %scan3A_78 : i32 to index
      %get3A_79 = arith.constant 0 : index
      %get3A_80 = tpu.vector_load %arg6[%get3A, %get3A_79] {strides = array<i32>} : memref<320x64xbf16, #tpu.memory_space<vmem>>, vector<32xbf16>,
      %get3A_81 = arith.constant 0 : index
      %get3A_82 = tpu.vector_load %arg9[%get3A_81] {strides = array<i32>} : memref<32xbf16, #tpu.memory_space<vmem>>, vector<32xbf16>,
      %add3A_83 = arith.addf %get3A_80, %get3A_82 : vector<32xbf16>
      %get3A_84 = arith.index_cast %scan3A_78 : i32 to index
      %get3A_85 = arith.constant 0 : index
      %get3A_86 = tpu.vector_load %arg7[%get3A_84, %get3A_85] {strides = array<i32>} : memref<320x64xbf16, #tpu.memory_space<vmem>>, vector<32xbf16>,
      %get3A_87 = arith.index_cast %scan3A_78 : i32 to index
      %get3A_88 = arith.constant 0 : index
      %get3A_89 = tpu.vector_load %arg8[%get3A_87, %get3A_88] {strides = array<i32>} : memref<320x64xbf16, #tpu.memory_space<vmem>>, vector<32xbf16>,
      %add3A_90 = arith.addf %get3A_86, %get3A_89 : vector<32xbf16>
      %get3A_91 = arith.index_cast %scan3A_78 : i32 to index
      %get3A_92 = arith.constant 32 : index
      %get3A_93 = tpu.vector_load %arg7[%get3A_91, %get3A_92] {strides = array<i32>} : memref<320x64xbf16, #tpu.memory_space<vmem>>, vector<32xbf16>,
      %get3A_94 = arith.index_cast %scan3A_78 : i32 to index
      %get3A_95 = arith.constant 32 : index
      %get3A_96 = tpu.vector_load %arg8[%get3A_94, %get3A_95] {strides = array<i32>} : memref<320x64xbf16, #tpu.memory_space<vmem>>, vector<32xbf16>,
      %add3A_97 = arith.addf %get3A_93, %get3A_96 : vector<32xbf16>
      %max3A = arith.maximumf %add3A_97, %broadcast_in_dim3A_70 : vector<32xbf16>
      %div3A = arith.divf %broadcast_in_dim3A_70, %max3A : vector<32xbf16>
      %min3A_98 = arith.minimumf %add3A_97, %broadcast_in_dim3A_70 : vector<32xbf16>
      %mul3A_99 = arith.mulf %add3A_83, %min3A_98 : vector<32xbf16>
      %mul3A_100 = arith.mulf %add3A_90, %div3A : vector<32xbf16>
      %add3A_101 = arith.addf %mul3A_99, %mul3A_100 : vector<32xbf16>
      %max3A_102 = arith.maximumf %add3A_101, %broadcast_in_dim3A_68 : vector<32xbf16>
      %min3A_103 = arith.minimumf %add3A_101, %broadcast_in_dim3A_68 : vector<32xbf16>
      %mul3A_104 = arith.mulf %broadcast_in_dim3A_72, %min3A_103 : vector<32xbf16>
      %add3A_105 = arith.addf %max3A_102, %mul3A_104 : vector<32xbf16>
      %swap3A = arith.index_cast %scan3A_78 : i32 to index
      %swap3A_106 = arith.constant 0 : index
      %swap3A_107 = tpu.vector_load %arg10[%swap3A, %swap3A_106] {strides = array<i32>} : memref<320x32xbf16, #tpu.memory_space<vmem>>, vector<32xbf16>,
      tpu.vector_store %arg10[%swap3A, %swap3A_106], %add3A_105 {strides = array<i32>} : memref<320x32xbf16, #tpu.memory_space<vmem>>, vector<32xbf16>,
    }
    %scan3A_77 = arith.constant 320 : i32
    "tpu.region"() ({
      %run_scoped3A = tpu.sem_alloc : memref<!tpu.dma_semaphore, #tpu.memory_space<semaphore_mem>>
      %dma_start3A_78 = arith.constant 0 : i32
      %dma_start3A_79 = tpu.memref_slice %arg5[%min3A_3, %dma_start3A_78] : memref<10000x32xbf16, #tpu.memory_space<hbm>> -> memref<320x32xbf16, #tpu.memory_space<hbm>>
      %dma_start3A_80 = arith.constant 0 : i32
      %dma_start3A_81 = tpu.memref_slice %arg5[%min3A_3, %dma_start3A_80] : memref<10000x32xbf16, #tpu.memory_space<hbm>> -> memref<320x32xbf16, #tpu.memory_space<hbm>>
      tpu.enqueue_dma source(%arg10 : memref<320x32xbf16, #tpu.memory_space<vmem>>) target(%dma_start3A_81 : memref<320x32xbf16, #tpu.memory_space<hbm>>) target_semaphore(%run_scoped3A : memref<!tpu.dma_semaphore, #tpu.memory_space<semaphore_mem>>)
      %dma_wait3A_82 = arith.constant 0 : i32
      %dma_wait3A_83 = tpu.memref_slice %arg5[%min3A_3, %dma_wait3A_82] : memref<10000x32xbf16, #tpu.memory_space<hbm>> -> memref<320x32xbf16, #tpu.memory_space<hbm>>
      %dma_wait3A_84 = arith.constant 0 : i32
      %dma_wait3A_85 = tpu.memref_slice %arg5[%min3A_3, %dma_wait3A_84] : memref<10000x32xbf16, #tpu.memory_space<hbm>> -> memref<320x32xbf16, #tpu.memory_space<hbm>>
      tpu.wait_dma2 semaphore(%run_scoped3A : memref<!tpu.dma_semaphore, #tpu.memory_space<semaphore_mem>>) src(%arg10 : memref<320x32xbf16, #tpu.memory_space<vmem>>) dst(%dma_wait3A_85 : memref<320x32xbf16, #tpu.memory_space<hbm>>)
      tpu.yield
    }) : () -> ()
    return
  }
}

module attributes {stable_mosaic.version = 14 : i64} {
  func.func @_matmul_body(%arg0: memref<10000x128xf32, #tpu.memory_space<vmem>>, %arg1: memref<32x256xf32, #tpu.memory_space<vmem>>, %arg2: memref<2x10000x64xbf16, #tpu.memory_space<vmem>>) attributes {dimension_semantics = [], scalar_prefetch = 0 : i64, scratch_operands = 0 : i64, tpu.core_type = #tpu.core_type<tc>} {
    %get3A = arith.constant 0 : index
    %get3A_0 = arith.constant 0 : index
    %get3A_1 = vector.load %arg1[%get3A, %get3A_0] : memref<32x256xf32, #tpu.memory_space<vmem>>, vector<32x256xf32>
    %slice3A = vector.extract_strided_slice %get3A_1 {offsets = [0, 0], sizes = [32, 128], strides = [1, 1]} : vector<32x256xf32> to vector<32x128xf32>
    %slice3A_2 = vector.extract_strided_slice %get3A_1 {offsets = [0, 128], sizes = [32, 128], strides = [1, 1]} : vector<32x256xf32> to vector<32x128xf32>
    %sub3A = arith.subf %slice3A, %slice3A_2 : vector<32x128xf32>
    %concatenate3A = tpu.concatenate %sub3A, %slice3A_2 in 0 : vector<32x128xf32>, vector<32x128xf32> -> vector<64x128xf32>
    %get3A_3 = arith.constant 0 : index
    %get3A_4 = arith.constant 0 : index
    %get3A_5 = vector.load %arg0[%get3A_3, %get3A_4] : memref<10000x128xf32, #tpu.memory_space<vmem>>, vector<10000x128xf32>
    %dot_general3A = arith.constant dense<0.000000e+00> : vector<10000x64xf32>
    %dot_general3A_6 = tpu.matmul %get3A_5, %concatenate3A, %dot_general3A {dimension_numbers = #tpu.dot_dimension_numbers<[1], [1], [0], [0], [0, 0, 1, 0], [], []>, transpose_lhs_hint = false} : vector<10000x128xf32>, vector<64x128xf32>, vector<10000x64xf32> -> vector<10000x64xf32>
    %broadcast_in_dim3A = arith.constant 0.000000e+00 : f32
    %broadcast_in_dim3A_7 = vector.broadcast %broadcast_in_dim3A : f32 to vector<10000x32xf32>
    %broadcast_in_dim3A_8 = arith.constant 1.000000e+00 : f32
    %broadcast_in_dim3A_9 = vector.broadcast %broadcast_in_dim3A_8 : f32 to vector<10000x32xf32>
    %slice3A_10 = vector.extract_strided_slice %dot_general3A_6 {offsets = [0, 0], sizes = [10000, 32], strides = [1, 1]} : vector<10000x64xf32> to vector<10000x32xf32>
    %concatenate3A_11 = tpu.concatenate %slice3A_10, %broadcast_in_dim3A_7 in 1 : vector<10000x32xf32>, vector<10000x32xf32> -> vector<10000x64xf32>
    %convert_element_type3A = arith.truncf %concatenate3A_11 : vector<10000x64xf32> to vector<10000x64xbf16>
    %swap3A = arith.constant 0 : index
    %swap3A_12 = arith.constant 0 : index
    %swap3A_13 = arith.constant 0 : index
    %swap3A_14 = vector.load %arg2[%swap3A, %swap3A_12, %swap3A_13] : memref<2x10000x64xbf16, #tpu.memory_space<vmem>>, vector<1x10000x64xbf16>
    %swap3A_15 = vector.shape_cast %swap3A_14 : vector<1x10000x64xbf16> to vector<10000x64xbf16>
    %swap3A_16 = vector.shape_cast %convert_element_type3A : vector<10000x64xbf16> to vector<1x10000x64xbf16>
    tpu.vector_store %arg2[%swap3A, %swap3A_12, %swap3A_13], %swap3A_16 {strides = array<i32>} : memref<2x10000x64xbf16, #tpu.memory_space<vmem>>, vector<1x10000x64xbf16>,
    %slice3A_17 = vector.extract_strided_slice %dot_general3A_6 {offsets = [0, 32], sizes = [10000, 32], strides = [1, 1]} : vector<10000x64xf32> to vector<10000x32xf32>
    %concatenate3A_18 = tpu.concatenate %slice3A_17, %broadcast_in_dim3A_9 in 1 : vector<10000x32xf32>, vector<10000x32xf32> -> vector<10000x64xf32>
    %convert_element_type3A_19 = arith.truncf %concatenate3A_18 : vector<10000x64xf32> to vector<10000x64xbf16>
    %swap3A_20 = arith.constant 1 : index
    %swap3A_21 = arith.constant 0 : index
    %swap3A_22 = arith.constant 0 : index
    %swap3A_23 = vector.load %arg2[%swap3A_20, %swap3A_21, %swap3A_22] : memref<2x10000x64xbf16, #tpu.memory_space<vmem>>, vector<1x10000x64xbf16>
    %swap3A_24 = vector.shape_cast %swap3A_23 : vector<1x10000x64xbf16> to vector<10000x64xbf16>
    %swap3A_25 = vector.shape_cast %convert_element_type3A_19 : vector<10000x64xbf16> to vector<1x10000x64xbf16>
    tpu.vector_store %arg2[%swap3A_20, %swap3A_21, %swap3A_22], %swap3A_25 {strides = array<i32>} : memref<2x10000x64xbf16, #tpu.memory_space<vmem>>, vector<1x10000x64xbf16>,
    return
  }
}

</mosaic_0001>

<sc_bundles>
// kernel: kernel.5.cloned.1.call-start
scs
__scs_entry_jumppad:
0x0: {  	(pc) =	sbr.rel $0x88, $3  }
0x1: {  	(tag) =	ssettag $0x0;
	lr =	simm.s32 $0x1  }
0x2: {  	[smem:$0x3F9C] =	sst lr;
	_ =	strace $0xD0000000  }
0x3: {  	_ = 	snop  }
0x4: {  	_ = 	snop  }
0x5: {  	_ = 	snop  }
0x6: {  	_ = 	snop  }
0x7: {  	_ = 	snop  }
__scs_overlays_trampoline_lowered:
0x8: {  	[smem:$0x3FAB] =	sst s0  }
0x9: {  	[smem:$0x3FAC] =	sst s1  }
0xa: {  	[smem:$0x3FAD] =	sst s2  }
0xb: {  	[smem:$0x3FAE] =	sst s3  }
0xc: {  	[smem:$0x3FAF] =	sst s4  }
0xd: {  	[smem:$0x3FB0] =	sst s5  }
0xe: {  	[smem:$0x3FB1] =	sst s6  }
0xf: {  	[smem:$0x3FB2] =	sst s7  }
0x10: {  	[smem:$0x3FB3] =	sst s8  }
0x11: {  	[smem:$0x3FB4] =	sst s9;
	s0 =	simm.s32 @!p0 $0x0  }
0x12: {  	s1 =	sld [smem:$0x3F9A];
	s0 =	simm.s32 @p0 $0x1  }
0x13: {  	[smem:$0x3FB5] =	sst s0;
	s0 =	simm.s32 @!p1 $0x0  }
0x14: {  	s2 =	sld [smem:$0x3F99];
	s0 =	simm.s32 @p1 $0x1  }
0x15: {  	[smem:$0x3FB6] =	sst s0;
	s0 =	simm.s32 @!p2 $0x0  }
0x16: {  	s3 =	sld [smem:$0x3FDB];
	s0 =	simm.s32 @p2 $0x1  }
0x17: {  	s4 =	simm.s32 $0x1BF5;
	[smem:$0x3FB8] =	sst s0  }
0x18: {  	s0 =	sld [smem:$0x3F9B];
	_ =	swait.ge [sflag:s4], $0x0  }
0x19: {  	s7 =	sld [smem:$0x3F9C]  }
0x1a: {  	s8 =	sadd.s32 $0xFFFFE003, lr  }
0x1b: {  	s9 =	sadd.s32 $0xFFFFFEF7, lr;
	s5 =	simm.s32 $0xFFFFFFFF;
	p2 =	slt.u32 s8, $0xFFFFF086  }
0x1c: {  	p1 =	slt.u32 s9, $0xF7A;
	s5 =	simm.s32 @!p2 $0x0  }
0x1d: {  	s5 =	simm.s32 @p1 $0x1;
	p0 =	seq.s32 s7, s2  }
0x1e: {  	s7 =	smul.u32 @!p0 $0xF7A, s2;
	p2 =	seq.s32 @!p0 s5, $0x0  }
0x1f: {  	s9 =	smul.u32 $0xF7A, s1;
	s8 =	simm.s32 @!p0 $0x1BF5;
	p2 =	por !p2, p0  }
0x20: {  	[sflag:s8] =	ssyncset.s32 @!p0 $0xFFFFF086;
	s6 =	sadd.s32 @!p0 s3, s7;
	s7 =	simm.s32 @!p0 $0x108  }
0x21: {  	s3 =	sadd.s32 s3, s9;
	s6 =	sadd.s32 @!p0 $0x88, s6;
	s7 =	simm.s32 @p2 $0x1082  }
0x22: {  	[simem:s7], [sflag:s8] =	dma.local @!p0 [hbm:s6], $0xF7A  }
0x23: {  	s9 =	sor.u32 $0xD0000000, s2;
	s6 =	simm.s32 $0x108;
	_ =	swait.ge @!p0 [sflag:s8], $0x0  }
0x24: {  	s3 =	sadd.s32 $0x88, s3;
	s6 =	simm.s32 @!p1 $0x1082;
	[sflag:s4] =	ssyncset.s32 $0xFFFFF086  }
0x25: {  	[simem:s6], [sflag:s4] =	dma.local [hbm:s3], $0xF7A  }
0x26: {  	[smem:$0x3F9C] =	sst s1;
	(tag) =	ssettag s2;
	_ =	strace s9  }
0x27: {  	s1 =	sld [smem:$0x3FAC]  }
0x28: {  	s2 =	sld [smem:$0x3FAD]  }
0x29: {  	s4 =	sld [smem:$0x3FAF]  }
0x2a: {  	p0 =	seq.s32 s5, $0x0;
	s5 =	sld [smem:$0x3FB0]  }
0x2b: {  	s6 =	sld [smem:$0x3FB1]  }
0x2c: {  	s7 =	sld [smem:$0x3FB2]  }
0x2d: {  	s3 =	simm.s32 $0x108;
	s8 =	sld [smem:$0x3FB3]  }
0x2e: {  	s3 =	simm.s32 @!p0 $0x1082;
	s9 =	sld [smem:$0x3FB4]  }
0x2f: {  	lr =	sadd.s32 s0, s3;
	s0 =	sld [smem:$0x3FAB]  }
0x30: {  	s3 =	sld [smem:$0x3FAE]  }
0x31: {  	[smem:$0x3FB7] =	sst s10  }
0x32: {  	s10 =	sld [smem:$0x3FB5];
	_ =	sdelay $0x3  }
0x33: {  	p0 =	seq.s32 s10, $0x1;
	s10 =	sld [smem:$0x3FB7];
	_ =	sdelay $0x3  }
0x34: {  	[smem:$0x3FB7] =	sst s10  }
0x35: {  	s10 =	sld [smem:$0x3FB6];
	_ =	sdelay $0x3  }
0x36: {  	p1 =	seq.s32 s10, $0x1;
	s10 =	sld [smem:$0x3FB7];
	_ =	sdelay $0x3  }
0x37: {  	[smem:$0x3FB7] =	sst s10  }
0x38: {  	s10 =	sld [smem:$0x3FB8]  }
0x39: {  	_ = 	snop;
	(pc) =	sbr.ind lr, $3  }
0x3a: {  	_ = 	snop  }
0x3b: {  	_ = 	snop  }
0x3c: {  	p2 =	seq.s32 s10, $0x1;
	s10 =	sld [smem:$0x3FB7]  }
0x3d: {  	_ =	shalt  }
0x3e: {  	_ =	shalt  }
0x3f: {  	_ =	shalt  }
0x40: {  	_ =	shalt  }
0x41: {  	_ =	shalt  }
0x42: {  	_ =	shalt  }
0x43: {  	_ =	shalt  }
0x44: {  	_ =	shalt  }
0x45: {  	_ =	shalt  }
0x46: {  	_ =	shalt  }
0x47: {  	_ =	shalt  }
0x48: {  	_ =	shalt  }
0x49: {  	_ =	shalt  }
0x4a: {  	_ =	shalt  }
0x4b: {  	_ =	shalt  }
0x4c: {  	_ =	shalt  }
0x4d: {  	_ =	shalt  }
0x4e: {  	_ =	shalt  }
0x4f: {  	_ =	shalt  }
0x50: {  	_ =	shalt  }
0x51: {  	_ =	shalt  }
0x52: {  	_ =	shalt  }
0x53: {  	_ =	shalt  }
0x54: {  	_ =	shalt  }
0x55: {  	_ =	shalt  }
0x56: {  	_ =	shalt  }
0x57: {  	_ =	shalt  }
0x58: {  	_ =	shalt  }
0x59: {  	_ =	shalt  }
0x5a: {  	_ =	shalt  }
0x5b: {  	_ =	shalt  }
0x5c: {  	_ =	shalt  }
0x5d: {  	_ =	shalt  }
0x5e: {  	_ =	shalt  }
0x5f: {  	_ =	shalt  }
0x60: {  	_ =	shalt  }
0x61: {  	_ =	shalt  }
0x62: {  	_ =	shalt  }
0x63: {  	_ =	shalt  }
0x64: {  	_ =	shalt  }
0x65: {  	_ =	shalt  }
0x66: {  	_ =	shalt  }
0x67: {  	_ =	shalt  }
0x68: {  	_ =	shalt  }
0x69: {  	_ =	shalt  }
0x6a: {  	_ =	shalt  }
0x6b: {  	_ =	shalt  }
0x6c: {  	_ =	shalt  }
0x6d: {  	_ =	shalt  }
0x6e: {  	_ =	shalt  }
0x6f: {  	_ =	shalt  }
0x70: {  	_ =	shalt  }
0x71: {  	_ =	shalt  }
0x72: {  	_ =	shalt  }
0x73: {  	_ =	shalt  }
0x74: {  	_ =	shalt  }
0x75: {  	_ =	shalt  }
0x76: {  	_ =	shalt  }
0x77: {  	_ =	shalt  }
0x78: {  	_ =	shalt  }
0x79: {  	_ =	shalt  }
0x7a: {  	_ =	shalt  }
0x7b: {  	_ =	shalt  }
0x7c: {  	_ =	shalt  }
0x7d: {  	_ =	shalt  }
0x7e: {  	_ =	shalt  }
0x7f: {  	_ =	shalt  }
0x80: {  	_ =	shalt  }
0x81: {  	_ =	shalt  }
0x82: {  	_ =	shalt  }
0x83: {  	_ =	shalt  }
0x84: {  	_ =	shalt  }
0x85: {  	_ =	shalt  }
0x86: {  	_ =	shalt  }
0x87: {  	_ =	shalt  }
.Lfunc_end0:
.L_simem_size_0:
called_computation_lowered:
.L_overlay_start_0:
0x88: {  	s2 =	sld [smem:$0x3FD9]  }
0x89: {  	s3 =	sld [smem:$0x3FFE];
	_ =	sdelay $0x1  }
0x8a: {  	s1 =	srdreg.scid  }
0x8b: {  	s0 =	sand.u32 $0x1, s1  }
0x8c: {  	s17 =	sshll.u32 s0, $0xA;
	s2 =	sadd.s32 s3, s2  }
0x8d: {  	s2 =	sadd.s32 s2, s17  }
0x8e: {  	[smem:$0x3FC3] =	sst s2  }
0x8f: {  	_ = 	snop  }
0x90: {  	s2 =	sld [smem:$0x3FC8]  }
0x91: {  	s18 =	sld [smem:$0x3FC7];
	(tm) =	ssettm $0x1  }
0x92: {  	s4 =	sld [smem:$0x3FFB];
	_ =	sdelay $0x3  }
0x93: {  	_ =	strace s4  }
0x94: {  	s4 =	sld [smem:$0x3FFC];
	_ =	sdelay $0x3  }
0x95: {  	_ =	strace s4  }
0x96: {  	s4 =	sld [smem:$0x3FFD];
	_ =	sdelay $0x3  }
0x97: {  	_ =	strace s4  }
0x98: {  	_ =	strace $0x8FFFFFFF  }
0x99: {  	s19 =	sld [smem:$0x3FDB];
	_ =	sdelay $0x1  }
0x9a: {  	s5 =	simm.s32 $_scs_section_size  }
0x9b: {  	s6 =	simm.s32 $_size__tile_overlayer_lowered;
	s7 =	simm.s32 $_tile_overlayer_lowered  }
0x9c: {  	s22 =	simm.s32 $0x1BFF;
	s21 =	sshll.u32 s7, $0x1;
	s4 =	sadd.s32 s5, s19  }
0x9d: {  	s8 =	simm.s32 $0x0;
	s20 =	sshll.u32 s6, $0x1;
	s6 =	sadd.s32 s21, s4  }
0x9e: {  	[timem:s8], [sflag:s22] =	dma.local [hbm:s6], s20  }
0x9f: {  	_ =	swait.ge [sflag:s22], s20  }
0xa0: {  	s5 =	ssub.s32 $0x0, s20;
	[sflag:s22] =	ssyncset.done $0x0  }
0xa1: {  	[sflag:s22] =	ssyncadd.s32 s5;
	_ =	sdelay $0x1  }
0xa2: {  	s23 =	simm.s32 $0x1B8B  }
0xa3: {  	_ =	swait.ge [sflag:s23], $0x1  }
0xa4: {  	[sflag:s23] =	ssyncset.done $0x0  }
0xa5: {  	s25 =	simm.s32 $0x1B8E;
	s24 =	sld [smem:$0x3FFE];
	[sflag:s23] =	ssyncadd.s32 $0xFFFFFFFF  }
0xa6: {  	s26 =	simm.s32 $execute0_lowered;
	[smem:$0x3FD2] =	sst s25  }
0xa7: {  	s6 =	sshll.u32 s26, $0x1;
	_ =	strace $0x80000046;
	[dreg:$0x1] =	wrdreg $0xFFFFFFFF  }
0xa8: {  	s28 =	simm.s32 $_size_execute0_lowered;
	s4 =	sadd.s32 s4, s6;
	[dreg:$0x0] =	wrdreg $0x0  }
0xa9: {  	s6 =	sshll.u32 s28, $0x1;
	[dreg:$0x2] =	wrdreg s4  }
0xaa: {  	[dreg:$0x3] =	wrdreg s6  }
0xab: {  	[dreg:$0x4] =	wrdreg $0xC0  }
0xac: {  	_ =	task [dreg:s8], $0x5FFFF  }
0xad: {  	[dreg:$0x1] =	wrdreg $0xFFFFFFFF  }
0xae: {  	[dreg:$0x0] =	wrdreg $0x60  }
0xaf: {  	[dreg:$0x2] =	wrdreg s24  }
0xb0: {  	[dreg:$0x3] =	wrdreg s2  }
0xb1: {  	[dreg:$0x4] =	wrdreg s18  }
0xb2: {  	[dreg:$0x5] =	wrdreg $0x0  }
0xb3: {  	[dreg:$0x6] =	wrdreg $0x9  }
0xb4: {  	_ =	task.clear_ibuf [dreg:s8], $0x7FFFF;
	_ =	strace $0x90000046  }
0xb5: {  	s29 =	simm.s32 $0x9;
	_ =	strace $0x80000048  }
0xb6: {  	_ =	swait.ge [sflag:s29], $0x1  }
0xb7: {  	[sflag:s29] =	ssyncadd.s32 $0xFFFFFFFF  }
0xb8: {  	_ =	strace $0x90000048  }
0xb9: {  	_ =	sfence  }
0xba: {  	s30 =	sld [smem:$0x0];
	_ =	sdelay $0x2  }
0xbb: {  	s31 =	sshll.u32 s1, $0xD;
	s1 =	sshrl.u32 s1, $0x2  }
0xbc: {  	s3 =	sand.u32 $0x4000, s31;
	s1 =	sadd.s32 s1, s30  }
0xbd: {  	s0 =	sor.u32 s3, s0;
	s1 =	sshll.u32 s1, $0x11  }
0xbe: {  	s0 =	sor.u32 s1, s0  }
0xbf: {  	s0 =	sadd.s32 $0x8F2B, s0  }
0xc0: {  	[sflag:s0] =	ssyncadd.remote.s32 $0x1  }
0xc1: {  	_ =	sfence.sel $0xFFFF  }
0xc2: {  	[dreg:$0x0] =	wrdreg $0xFFFFFFFF;
	(pc) =	sbr.abs _section_cstart, $3  }
0xc3: {  	[dreg:$0x1] =	wrdreg $0xFFFFFFFF  }
0xc4: {  	_ =	task.clear_ibuf [dreg:s8], $0x2FFFF;
	_ =	strace $0x9FFFFFFF  }
0xc5: {  	(tm) =	ssettm $0x7FFFFFFF  }
tec
execute0_lowered:
.L_overlay_start_1:
0x0: {  	(tag) =	ssettag $0x1  }
0x1: {  	s0 =	rddreg [dreg:$0x0]  }
0x2: {  	s1 =	rddreg [dreg:$0x1]  }
0x3: {  	s3 =	rddreg [dreg:$0x2];
	s4 =	srdreg.scid  }
0x4: {  	s8 =	stileid.u32;
	s2 =	rddreg [dreg:$0x3]  }
0x5: {  	s7 =	simm.s32 $0x0;
	s12 =	simm.s32 $0x7710;
	s16 =	simm.s32 $0xDA20  }
0x6: {  	s28 =	simm.s32 $0xBC20;
	s30 =	simm.s32 $0xC620;
	s31 =	simm.s32 $0x4  }
0x7: {  	s29 =	simm.s32 $0xA;
	s4 =	sand.u32 $0x1, s4;
	s5 =	smul.u32 $0xA000, s8  }
0x8: {  	[smem:$0x7FF] =	sst s7;
	s11 =	sadd.s32 $0xA640, s0;
	s6 =	smul.u32 $0xA0000, s4  }
0x9: {  	_ =	strace $0x80000047;
	s17 =	sshll.u32 s4, $0x4;
	s4 =	ssub.s32 $0x2, s4  }
0xa: {  	s7 =	sor.u32 s8, s17;
	s8 =	smul.u32 $0x14000, s8;
	s9 =	sshrl.u32 s4, $0x1  }
0xb: {  	s19 =	sshrl.u32 s5, $0x1;
	s17 =	simm.s32 $0x7;
	s6 =	sadd.s32 s5, s6  }
0xc: {  	s7 =	smul.u32 $0x4E2, s7;
	s4 =	ssub.s32 s4, s9;
	s5 =	simm.s32 $0x0  }
0xd: {  	s6 =	sshrl.u32 s6, $0x4;
	s18 =	sshrl.u32 s8, $0x2;
	s26 =	smax.u32 s4, $0x1  }
0xe: {  	s4 =	simm.s32 $0xD;
	s10 =	sadd.s32 s6, s0;
	s1 =	sadd.s32 s1, s7  }
0xf: {  	s20 =	sadd.s32 s18, s2;
	s3 =	sadd.s32 s3, s7;
	[dreg:$0xc] =	wrdreg s26  }
0x10: {  	s6 =	sadd.s32 s19, s2;
	s18 =	simm.s32 $0x1;
	[dreg:$0x5] =	wrdreg s1  }
0x11: {  	s19 =	simm.s32 $0x2;
	[dreg:$0x6] =	wrdreg s3;
	s21 =	sadd.s32 $0x1000, s20  }
0x12: {  	s26 =	simm.s32 $0xC;
	s22 =	sadd.s32 $0x2000, s20;
	[dreg:$0x7] =	wrdreg s21  }
0x13: {  	s0 =	simm.s32 $0x9;
	s23 =	sadd.s32 $0x3000, s20;
	[dreg:$0x8] =	wrdreg s22  }
0x14: {  	s24 =	sadd.s32 $0x4000, s20;
	s25 =	sadd.s32 $0x14400, s10;
	[dreg:$0x9] =	wrdreg s23  }
0x15: {  	s10 =	simm.s32 $0x5000;
	s20 =	simm.s32 $0x50;
	[dreg:$0xa] =	wrdreg s24  }
0x16: {  	s1 =	simm.s32 $0x3;
	s3 =	simm.s32 $0xB;
	[dreg:$0xb] =	wrdreg s25  }
0x17: {  	v0 =	vimm.bf16 $0.0e+00;
	s25 =	simm.s32 $0xB220;
	s22 =	simm.s32 $0x8;
	s24 =	simm.s32 $0x5  }
.LBB2_1:
0x18: {  	s7 =	simm.s32 $0x0;
	s8 =	rddreg [dreg:$0x5]  }
0x19: {  	[tilespmem:s10], [sflag:$0x1] =	stream.linear.gather [hbm4b:s8+s7], $0x2710, $0x38;
	[tilespmem:$0xEA20] =	vst v63  }
0x1a: {  	s23 =	rddreg [dreg:$0x6]  }
0x1b: {  	[tilespmem:s12], [sflag:$0x2] =	stream.linear.gather [hbm4b:s23+s7], $0x2710, $0x38;
	[tilespmem:$0xEA20] =	vst v63  }
0x1c: {  	s8 =	simm.s32 $0x0;
	s7 =	simm.s32 $0x80  }
.LBB2_2:
0x1d: {  	p0 =	sne.s32 s7, $0x3F80;
	[tilespmem:s8+$0xDA20] =	vst v0;
	s9 =	smov.u32 s7;
	s7 =	sadd.s32 $0x80, s7  }
.Ltmp0:
0x1e: {  	[tilespmem:s8+$0xDA30] =	vst v0;
	(pc) =	sbr.rel @p0 .LBB2_2-.Ltmp0, $2  }
0x1f: {  	_ =	sdelay $0x2  }
0x20: {  	s8 =	sshra.s32 s9, $0x2  }
0x21: {  	[tilespmem:s8+$0xDA20] =	vst v0  }
0x22: {  	[tilespmem:s8+$0xDA30] =	vst v0  }
0x23: {  	[spmem:s6] =	stream.linear.scatter [tilespmem:s16], [sflag:$0x7], $0x1000, $0x38;
	[tilespmem:$0xEA20] =	vst v63  }
0x24: {  	s7 =	rddreg [dreg:$0x7]  }
0x25: {  	[spmem:s7] =	stream.linear.scatter [tilespmem:s16], [sflag:$0x7], $0x1000, $0x38;
	[tilespmem:$0xEA20] =	vst v63  }
0x26: {  	s8 =	rddreg [dreg:$0x8]  }
0x27: {  	[spmem:s8] =	stream.linear.scatter [tilespmem:s16], [sflag:$0x7], $0x1000, $0x38;
	[tilespmem:$0xEA20] =	vst v63  }
0x28: {  	s9 =	rddreg [dreg:$0x9]  }
0x29: {  	[spmem:s9] =	stream.linear.scatter [tilespmem:s16], [sflag:$0x7], $0x1000, $0x38;
	[tilespmem:$0xEA20] =	vst v63  }
0x2a: {  	s13 =	rddreg [dreg:$0xa]  }
0x2b: {  	[spmem:s13] =	stream.linear.scatter [tilespmem:s16], [sflag:$0x7], $0x1000, $0x38;
	[tilespmem:$0xEA20] =	vst v63  }
0x2c: {  	_ =	swait.ge [sflag:s17], $0x1000  }
0x2d: {  	[sflag:s17] =	ssyncset.done $0x0  }
0x2e: {  	[sflag:s17] =	ssyncadd.s32 $0xFFFFF000  }
0x2f: {  	_ =	swait.ge [sflag:s17], $0x1000  }
0x30: {  	[sflag:s17] =	ssyncset.done $0x0  }
0x31: {  	[sflag:s17] =	ssyncadd.s32 $0xFFFFF000  }
0x32: {  	_ =	swait.ge [sflag:s17], $0x1000  }
0x33: {  	[sflag:s17] =	ssyncset.done $0x0  }
0x34: {  	[sflag:s17] =	ssyncadd.s32 $0xFFFFF000  }
0x35: {  	_ =	swait.ge [sflag:s17], $0x1000  }
0x36: {  	[sflag:s17] =	ssyncset.done $0x0  }
0x37: {  	[sflag:s17] =	ssyncadd.s32 $0xFFFFF000  }
0x38: {  	_ =	swait.ge [sflag:s17], $0x1000  }
0x39: {  	[sflag:s17] =	ssyncset.done $0x0  }
0x3a: {  	[sflag:s17] =	ssyncadd.s32 $0xFFFFF000  }
0x3b: {  	_ =	swait.ge [sflag:s18], $0x2710  }
0x3c: {  	[sflag:s18] =	ssyncset.done $0x0  }
0x3d: {  	[sflag:s18] =	ssyncadd.s32 $0xFFFFD8F0  }
0x3e: {  	_ =	swait.ge [sflag:s19], $0x2710  }
0x3f: {  	[sflag:s19] =	ssyncset.done $0x0  }
0x40: {  	[sflag:s19] =	ssyncadd.s32 $0xFFFFD8F0  }
0x41: {  	s14 =	simm.s32 $0x9E20;
	[bflag:$0x0] =	sbarrier.arrive $0xFFFF  }
0x42: {  	[tilespmem:s14], [sflag:$0x1] =	stream.indirect.gather [hbm4b:s11+s20], $0x20, s10, s20, $0xb8;
	[tilespmem:$0xEA20] =	vst v63  }
0x43: {  	s15 =	simm.s32 $0x5050;
	s9 =	simm.s32 $0xA820  }
0x44: {  	[tilespmem:s9], [sflag:$0x2] =	stream.indirect.gather [hbm4b:s11+s20], $0x20, s15, s20, $0xb8;
	[tilespmem:$0xEA20] =	vst v63  }
0x45: {  	s21 =	simm.s32 $0x50A0  }
0x46: {  	[tilespmem:s25], [sflag:$0x3] =	stream.indirect.gather [hbm4b:s11+s20], $0x20, s21, s20, $0xb8;
	[tilespmem:$0xEA20] =	vst v63  }
0x47: {  	_ =	swait.ge [sflag:s18], $0xA00  }
0x48: {  	[sflag:s18] =	ssyncset.done $0x0  }
0x49: {  	s23 =	simm.s32 $0x50F0;
	[sflag:s18] =	ssyncadd.s32 $0xFFFFF600  }
0x4a: {  	[tilespmem:s28], [sflag:$0x4] =	stream.indirect.gather [hbm4b:s11+s20], $0x20, s23, s20, $0xb8;
	[tilespmem:$0xEA20] =	vst v63  }
0x4b: {  	_ = 	snop  }
0x4c: {  	[spmem:s2] =	stream.indirect.scatter.add.bf16 [tilespmem:s14], [sflag:$0x7], $0x20, s12, s20, $0xb8;
	[tilespmem:$0xEA20] =	vst v63  }
0x4d: {  	s14 =	simm.s32 $0x6  }
0x4e: {  	_ =	swait.ge [sflag:s19], $0xA00;
	s7 =	smul.u32 $0xAB, s14  }
0x4f: {  	s8 =	simm.s32 $0x5140;
	s13 =	simm.s32 $0xD020;
	[sflag:s19] =	ssyncset.done $0x0  }
0x50: {  	s10 =	simm.s32 $0x7760;
	[sflag:s19] =	ssyncadd.s32 $0xFFFFF600;
	s21 =	sshrl.u32 s7, $0xA  }
0x51: {  	[tilespmem:s30], [sflag:$0x5] =	stream.indirect.gather [hbm4b:s11+s20], $0x20, s8, s20, $0xb8;
	[tilespmem:$0xEA20] =	vst v63  }
0x52: {  	s15 =	simm.s32 $0x77B0;
	s7 =	sadd.s32 $0xFFFFFDFF, s7;
	s8 =	sand.u32 $0x3F, s21  }
0x53: {  	s23 =	simm.s32 $0x51E0;
	s7 =	sshrl.u32 s7, $0xA;
	s8 =	smul.u32 $0x6, s8  }
0x54: {  	[spmem:s2] =	stream.indirect.scatter.add.bf16 [tilespmem:s9], [sflag:$0x8], $0x20, s10, s20, $0xb8;
	[tilespmem:$0xEA20] =	vst v63  }
0x55: {  	s12 =	simm.s32 $0x5190;
	s7 =	sand.u32 $0x3F, s7;
	_ =	swait.ge [sflag:s1], $0xA00  }
0x56: {  	s7 =	smul.u32 $0x6, s7;
	s8 =	ssub.s32 $0x6, s8;
	[sflag:s1] =	ssyncset.done $0x0  }
0x57: {  	s9 =	simm.s32 $0x7800;
	s8 =	sand.u32 $0xFF, s8;
	[sflag:s1] =	ssyncadd.s32 $0xFFFFF600  }
0x58: {  	[tilespmem:s13], [sflag:$0x6] =	stream.indirect.gather [hbm4b:s11+s20], $0x20, s12, s20, $0xb8;
	[tilespmem:$0xEA20] =	vst v63  }
0x59: {  	s7 =	ssub.s32 $0x6, s7;
	s14 =	sadd.s32 $0x7, s8;
	s13 =	smul.u32 $0x2800, s8  }
0x5a: {  	[spmem:s2] =	stream.indirect.scatter.add.bf16 [tilespmem:s25], [sflag:$0x9], $0x20, s15, s20, $0xb8;
	[tilespmem:$0xEA20] =	vst v63  }
0x5b: {  	s7 =	sadd.s32 $0xFFFFFFFD, s7;
	s8 =	sadd.s32 $0x1, s8;
	_ =	swait.ge [sflag:s14], $0xA00  }
0x5c: {  	s7 =	sand.u32 $0xFF, s7;
	s13 =	sshrl.u32 s13, $0x2;
	[sflag:s14] =	ssyncset.done $0x0  }
0x5d: {  	s21 =	smul.u32 $0x2800, s7;
	s15 =	sadd.s32 $0x9E20, s13;
	[sflag:s14] =	ssyncadd.s32 $0xFFFFF600  }
0x5e: {  	[tilespmem:s15], [sflag:s8] =	stream.indirect.gather [hbm4b:s11+s20], $0x20, s23, s20, $0xb8;
	[tilespmem:$0xEA20] =	vst v63  }
0x5f: {  	s12 =	sadd.s32 $0x7, s7;
	s13 =	sshrl.u32 s21, $0x2;
	s23 =	sadd.s32 $0x1, s7  }
0x60: {  	s13 =	sadd.s32 $0x9E20, s13;
	s14 =	simm.s32 $0x5230;
	_ =	swait.ge [sflag:s23], $0xA00  }
0x61: {  	s8 =	simm.s32 $0x7;
	s15 =	simm.s32 $0x8;
	[sflag:s23] =	ssyncset.done $0x0  }
0x62: {  	s7 =	simm.s32 $0x7850;
	s10 =	smul.u32 $0xAB, s8;
	[sflag:s23] =	ssyncadd.s32 $0xFFFFF600  }
.LBB2_4:
0x63: {  	[spmem:s2] =	stream.indirect.scatter.add.bf16 [tilespmem:s13], [sflag:s12], $0x20, s9, s20, $0xb8;
	[tilespmem:$0xEA20] =	vst v63  }
0x64: {  	s12 =	smov.u32 s15;
	s9 =	smov.u32 s7  }
0x65: {  	s21 =	sadd.s32 $0x1, s15;
	s13 =	sshrl.u32 s10, $0xA;
	s10 =	sadd.s32 $0xFFFFFDFF, s10  }
0x66: {  	p0 =	sne.s32 s15, $0x7C;
	s13 =	sand.u32 $0x3F, s13;
	s10 =	sshrl.u32 s10, $0xA  }
0x67: {  	s13 =	smul.u32 $0x6, s13;
	s10 =	sand.u32 $0x3F, s10  }
0x68: {  	s10 =	smul.u32 $0x6, s10  }
0x69: {  	s13 =	ssub.s32 s8, s13  }
0x6a: {  	s13 =	sand.u32 $0xFF, s13;
	s10 =	ssub.s32 s8, s10;
	s8 =	smov.u32 s12  }
0x6b: {  	s12 =	sadd.s32 $0x7, s13;
	s15 =	smul.u32 $0x2800, s13;
	s10 =	sadd.s32 $0xFFFFFFFD, s10  }
0x6c: {  	s13 =	sadd.s32 $0x1, s13;
	_ =	swait.ge [sflag:s12], $0xA00;
	s10 =	sand.u32 $0xFF, s10  }
0x6d: {  	[sflag:s12] =	ssyncset.done $0x0;
	s15 =	sshrl.u32 s15, $0x2;
	s23 =	sadd.s32 $0x1, s10  }
0x6e: {  	[sflag:s12] =	ssyncadd.s32 $0xFFFFF600;
	s12 =	sadd.s32 $0x9E20, s15;
	s15 =	smul.u32 $0x2800, s10  }
.Ltmp1:
0x6f: {  	s7 =	sadd.s32 $0x50, s7;
	(pc) =	sbr.rel @p0 .LBB2_4-.Ltmp1, $4  }
0x70: {  	[tilespmem:s12], [sflag:s13] =	stream.indirect.gather [hbm4b:s11+s20], $0x20, s14, s20, $0xb8;
	[tilespmem:$0xEA20] =	vst v63  }
0x71: {  	s14 =	sadd.s32 $0x50, s14;
	_ =	swait.ge [sflag:s23], $0xA00;
	s13 =	sshrl.u32 s15, $0x2  }
0x72: {  	s12 =	sadd.s32 $0x7, s10;
	s10 =	smul.u32 $0xAB, s8;
	[sflag:s23] =	ssyncset.done $0x0  }
0x73: {  	s15 =	smov.u32 s21;
	s13 =	sadd.s32 $0x9E20, s13;
	[sflag:s23] =	ssyncadd.s32 $0xFFFFF600  }
0x74: {  	s15 =	sshrl.u32 s10, $0xA  }
0x75: {  	s15 =	sand.u32 $0x3F, s15  }
0x76: {  	s15 =	smul.u32 $0x6, s15  }
0x77: {  	[spmem:s2] =	stream.indirect.scatter.add.bf16 [tilespmem:s13], [sflag:s12], $0x20, s9, s20, $0xb8;
	[tilespmem:$0xEA20] =	vst v63  }
0x78: {  	s13 =	ssub.s32 s8, s15  }
0x79: {  	s21 =	sadd.s32 $0xFFFFFDFF, s10;
	s9 =	sand.u32 $0xFF, s13  }
0x7a: {  	s10 =	sshrl.u32 s21, $0xA;
	s15 =	sadd.s32 $0x7, s9;
	s23 =	smul.u32 $0x2800, s9  }
0x7b: {  	s10 =	sand.u32 $0x3F, s10;
	_ =	swait.ge [sflag:s15], $0xA00  }
0x7c: {  	s10 =	smul.u32 $0x6, s10;
	[sflag:s15] =	ssyncset.done $0x0;
	s13 =	sshrl.u32 s23, $0x2  }
0x7d: {  	s9 =	sadd.s32 $0x1, s9;
	[sflag:s15] =	ssyncadd.s32 $0xFFFFF600;
	s12 =	sadd.s32 $0x9E20, s13  }
0x7e: {  	[tilespmem:s12], [sflag:s9] =	stream.indirect.gather [hbm4b:s11+s20], $0x20, s14, s20, $0xb8;
	[tilespmem:$0xEA20] =	vst v63  }
0x7f: {  	s14 =	ssub.s32 s8, s10  }
0x80: {  	s8 =	sadd.s32 $0xFFFFFFFD, s14  }
0x81: {  	s8 =	sand.u32 $0xFF, s8  }
0x82: {  	s15 =	sadd.s32 $0x1, s8;
	s21 =	smul.u32 $0x2800, s8  }
0x83: {  	_ =	swait.ge [sflag:s15], $0xA00  }
0x84: {  	s10 =	sshrl.u32 s21, $0x2;
	[sflag:s15] =	ssyncset.done $0x0  }
0x85: {  	s8 =	sadd.s32 $0x7, s8;
	[sflag:s15] =	ssyncadd.s32 $0xFFFFF600;
	s23 =	sadd.s32 $0x9E20, s10  }
0x86: {  	[spmem:s2] =	stream.indirect.scatter.add.bf16 [tilespmem:s23], [sflag:s8], $0x20, s7, s20, $0xb8;
	[tilespmem:$0xEA20] =	vst v63  }
0x87: {  	_ =	swait.ge [sflag:s26], $0xA00  }
0x88: {  	[sflag:s26] =	ssyncset.done $0x0  }
0x89: {  	[sflag:s26] =	ssyncadd.s32 $0xFFFFF600  }
0x8a: {  	_ =	swait.ge [sflag:s1], $0xA00  }
0x8b: {  	[sflag:s1] =	ssyncset.done $0x0  }
0x8c: {  	s10 =	simm.s32 $0x9D30;
	[sflag:s1] =	ssyncadd.s32 $0xFFFFF600  }
0x8d: {  	[spmem:s2] =	stream.indirect.scatter.add.bf16 [tilespmem:s25], [sflag:$0x9], $0x20, s10, s20, $0xb8;
	[tilespmem:$0xEA20] =	vst v63  }
0x8e: {  	_ =	swait.ge [sflag:s17], $0xA00  }
0x8f: {  	[sflag:s17] =	ssyncset.done $0x0  }
0x90: {  	[sflag:s17] =	ssyncadd.s32 $0xFFFFF600  }
0x91: {  	_ =	swait.ge [sflag:s31], $0xA00  }
0x92: {  	[sflag:s31] =	ssyncset.done $0x0  }
0x93: {  	s12 =	simm.s32 $0x9D80;
	[sflag:s31] =	ssyncadd.s32 $0xFFFFF600  }
0x94: {  	[spmem:s2] =	stream.indirect.scatter.add.bf16 [tilespmem:s28], [sflag:$0xA], $0x20, s12, s20, $0xb8;
	[tilespmem:$0xEA20] =	vst v63  }
0x95: {  	_ =	swait.ge [sflag:s22], $0xA00  }
0x96: {  	[sflag:s22] =	ssyncset.done $0x0  }
0x97: {  	[sflag:s22] =	ssyncadd.s32 $0xFFFFF600  }
0x98: {  	_ =	swait.ge [sflag:s24], $0xA00  }
0x99: {  	[sflag:s24] =	ssyncset.done $0x0  }
0x9a: {  	s13 =	simm.s32 $0x9DD0;
	[sflag:s24] =	ssyncadd.s32 $0xFFFFF600  }
0x9b: {  	[spmem:s2] =	stream.indirect.scatter.add.bf16 [tilespmem:s30], [sflag:$0xB], $0x20, s13, s20, $0xb8;
	[tilespmem:$0xEA20] =	vst v63  }
0x9c: {  	_ =	swait.ge [sflag:s0], $0xA00  }
0x9d: {  	[sflag:s0] =	ssyncset.done $0x0  }
0x9e: {  	[sflag:s0] =	ssyncadd.s32 $0xFFFFF600  }
0x9f: {  	_ =	swait.ge [sflag:s29], $0xA00  }
0xa0: {  	[sflag:s29] =	ssyncset.done $0x0  }
0xa1: {  	[sflag:s29] =	ssyncadd.s32 $0xFFFFF600  }
0xa2: {  	_ =	swait.ge [sflag:s3], $0xA00  }
0xa3: {  	[sflag:s3] =	ssyncset.done $0x0  }
0xa4: {  	s14 =	stileid.u32;
	[sflag:s3] =	ssyncadd.s32 $0xFFFFF600  }
0xa5: {  	s7 =	sshll.u32 s14, $0x6;
	[bflag:$0x0] =	sbarrier.arrive $0xFFFF  }
0xa6: {  	s15 =	sshrl.u32 s6, $0x3;
	s7 =	sor.u32 $0x1C0D, s7;
	s21 =	rddreg [dreg:$0xb]  }
0xa7: {  	[hbm:s21], [sflag:s7] =	dma.local [spmem:s15], $0xA00  }
0xa8: {  	_ =	swait.ge [sflag:s4], $0xA00  }
0xa9: {  	s5 =	sadd.s32 $0x1, s5;
	s23 =	rddreg [dreg:$0xc]  }
0xaa: {  	p0 =	sne.s32 s5, s23  }
.Ltmp2:
0xab: {  	_ = 	snop;
	(pc) =	sbr.rel @p0 .LBB2_1-.Ltmp2, $3  }
0xac: {  	_ =	sdelay $0x1  }
0xad: {  	[sflag:s4] =	ssyncset.done $0x0  }
0xae: {  	s10 =	simm.s32 $0x5000;
	s12 =	simm.s32 $0x7710;
	[sflag:s4] =	ssyncadd.s32 $0xFFFFF600  }
0xaf: {  	_ =	sfence.sel $0x180000  }
0xb0: {  	[bflag:$0x0] =	sbarrier.arrive $0xFFFF  }
0xb1: {  	_ =	strace $0x90000047  }
0xb2: {  	s0 =	stileid.u32;
	[bflag:$0x2] =	sbarrier.arrive $0xFFFF  }
0xb3: {  	p0 =	sne.s32 s0, $0x0;
	s0 =	rddreg [dreg:$0x4]  }
0xb4: {  	s0 =	sadd.s32 @!p0 $0x100000, s0  }
0xb5: {  	[sflag:s0] =	ssyncadd.tile.s32 @!p0 $0x1;
	_ =	shalt  }
.Lfunc_end2:
_tile_overlayer_lowered:
.L_overlay_start_2:
0xb6: {  	(tag) =	ssettag $0x2  }
0xb7: {  	s0 =	rddreg [dreg:$0x0];
	s2 =	stileid.u32  }
0xb8: {  	s1 =	rddreg [dreg:$0x1];
	p0 =	sne.s32 s2, $0x0  }
0xb9: {  	s3 =	rddreg [dreg:$0x2];
	[bflag:$0x3] =	sbarrier.arrive $0xFFFF;
	s2 =	simm.s32 @!p0 $0x1C0D  }
0xba: {  	[timem:s3], [sflag:s2] =	dma.local @!p0 [hbm:s0], s1  }
0xbb: {  	s0 =	simm.s32 @!p0 $0xD  }
0xbc: {  	_ =	swait.ge @!p0 [sflag:s0], s1  }
0xbd: {  	s1 =	ssub.s32 @!p0 $0x0, s1;
	[sflag:s0] =	ssyncset.done @!p0 $0x0  }
0xbe: {  	[sflag:s0] =	ssyncadd.s32 @!p0 s1  }
0xbf: {  	[bflag:$0x3] =	sbarrier.arrive $0xFFFF  }
0xc0: {  	_ =	shalt  }

// kernel: kernel.8.cloned.1.call-start
scs
__scs_entry_jumppad:
0x0: {  	(pc) =	sbr.rel $0x88, $3  }
0x1: {  	(tag) =	ssettag $0x0;
	lr =	simm.s32 $0x1  }
0x2: {  	[smem:$0x3F9C] =	sst lr;
	_ =	strace $0xD0000000  }
0x3: {  	_ = 	snop  }
0x4: {  	_ = 	snop  }
0x5: {  	_ = 	snop  }
0x6: {  	_ = 	snop  }
0x7: {  	_ = 	snop  }
__scs_overlays_trampoline_lowered:
0x8: {  	[smem:$0x3FAB] =	sst s0  }
0x9: {  	[smem:$0x3FAC] =	sst s1  }
0xa: {  	[smem:$0x3FAD] =	sst s2  }
0xb: {  	[smem:$0x3FAE] =	sst s3  }
0xc: {  	[smem:$0x3FAF] =	sst s4  }
0xd: {  	[smem:$0x3FB0] =	sst s5  }
0xe: {  	[smem:$0x3FB1] =	sst s6  }
0xf: {  	[smem:$0x3FB2] =	sst s7  }
0x10: {  	[smem:$0x3FB3] =	sst s8  }
0x11: {  	[smem:$0x3FB4] =	sst s9;
	s0 =	simm.s32 @!p0 $0x0  }
0x12: {  	s1 =	sld [smem:$0x3F9A];
	s0 =	simm.s32 @p0 $0x1  }
0x13: {  	[smem:$0x3FB5] =	sst s0;
	s0 =	simm.s32 @!p1 $0x0  }
0x14: {  	s2 =	sld [smem:$0x3F99];
	s0 =	simm.s32 @p1 $0x1  }
0x15: {  	[smem:$0x3FB6] =	sst s0;
	s0 =	simm.s32 @!p2 $0x0  }
0x16: {  	s3 =	sld [smem:$0x3FDB];
	s0 =	simm.s32 @p2 $0x1  }
0x17: {  	s4 =	simm.s32 $0x1BF5;
	[smem:$0x3FB8] =	sst s0  }
0x18: {  	s0 =	sld [smem:$0x3F9B];
	_ =	swait.ge [sflag:s4], $0x0  }
0x19: {  	s7 =	sld [smem:$0x3F9C]  }
0x1a: {  	s8 =	sadd.s32 $0xFFFFE003, lr  }
0x1b: {  	s9 =	sadd.s32 $0xFFFFFEF7, lr;
	s5 =	simm.s32 $0xFFFFFFFF;
	p2 =	slt.u32 s8, $0xFFFFF086  }
0x1c: {  	p1 =	slt.u32 s9, $0xF7A;
	s5 =	simm.s32 @!p2 $0x0  }
0x1d: {  	s5 =	simm.s32 @p1 $0x1;
	p0 =	seq.s32 s7, s2  }
0x1e: {  	s7 =	smul.u32 @!p0 $0xF7A, s2;
	p2 =	seq.s32 @!p0 s5, $0x0  }
0x1f: {  	s9 =	smul.u32 $0xF7A, s1;
	s8 =	simm.s32 @!p0 $0x1BF5;
	p2 =	por !p2, p0  }
0x20: {  	[sflag:s8] =	ssyncset.s32 @!p0 $0xFFFFF086;
	s6 =	sadd.s32 @!p0 s3, s7;
	s7 =	simm.s32 @!p0 $0x108  }
0x21: {  	s3 =	sadd.s32 s3, s9;
	s6 =	sadd.s32 @!p0 $0x88, s6;
	s7 =	simm.s32 @p2 $0x1082  }
0x22: {  	[simem:s7], [sflag:s8] =	dma.local @!p0 [hbm:s6], $0xF7A  }
0x23: {  	s9 =	sor.u32 $0xD0000000, s2;
	s6 =	simm.s32 $0x108;
	_ =	swait.ge @!p0 [sflag:s8], $0x0  }
0x24: {  	s3 =	sadd.s32 $0x88, s3;
	s6 =	simm.s32 @!p1 $0x1082;
	[sflag:s4] =	ssyncset.s32 $0xFFFFF086  }
0x25: {  	[simem:s6], [sflag:s4] =	dma.local [hbm:s3], $0xF7A  }
0x26: {  	[smem:$0x3F9C] =	sst s1;
	(tag) =	ssettag s2;
	_ =	strace s9  }
0x27: {  	s1 =	sld [smem:$0x3FAC]  }
0x28: {  	s2 =	sld [smem:$0x3FAD]  }
0x29: {  	s4 =	sld [smem:$0x3FAF]  }
0x2a: {  	p0 =	seq.s32 s5, $0x0;
	s5 =	sld [smem:$0x3FB0]  }
0x2b: {  	s6 =	sld [smem:$0x3FB1]  }
0x2c: {  	s7 =	sld [smem:$0x3FB2]  }
0x2d: {  	s3 =	simm.s32 $0x108;
	s8 =	sld [smem:$0x3FB3]  }
0x2e: {  	s3 =	simm.s32 @!p0 $0x1082;
	s9 =	sld [smem:$0x3FB4]  }
0x2f: {  	lr =	sadd.s32 s0, s3;
	s0 =	sld [smem:$0x3FAB]  }
0x30: {  	s3 =	sld [smem:$0x3FAE]  }
0x31: {  	[smem:$0x3FB7] =	sst s10  }
0x32: {  	s10 =	sld [smem:$0x3FB5];
	_ =	sdelay $0x3  }
0x33: {  	p0 =	seq.s32 s10, $0x1;
	s10 =	sld [smem:$0x3FB7];
	_ =	sdelay $0x3  }
0x34: {  	[smem:$0x3FB7] =	sst s10  }
0x35: {  	s10 =	sld [smem:$0x3FB6];
	_ =	sdelay $0x3  }
0x36: {  	p1 =	seq.s32 s10, $0x1;
	s10 =	sld [smem:$0x3FB7];
	_ =	sdelay $0x3  }
0x37: {  	[smem:$0x3FB7] =	sst s10  }
0x38: {  	s10 =	sld [smem:$0x3FB8]  }
0x39: {  	_ = 	snop;
	(pc) =	sbr.ind lr, $3  }
0x3a: {  	_ = 	snop  }
0x3b: {  	_ = 	snop  }
0x3c: {  	p2 =	seq.s32 s10, $0x1;
	s10 =	sld [smem:$0x3FB7]  }
0x3d: {  	_ =	shalt  }
0x3e: {  	_ =	shalt  }
0x3f: {  	_ =	shalt  }
0x40: {  	_ =	shalt  }
0x41: {  	_ =	shalt  }
0x42: {  	_ =	shalt  }
0x43: {  	_ =	shalt  }
0x44: {  	_ =	shalt  }
0x45: {  	_ =	shalt  }
0x46: {  	_ =	shalt  }
0x47: {  	_ =	shalt  }
0x48: {  	_ =	shalt  }
0x49: {  	_ =	shalt  }
0x4a: {  	_ =	shalt  }
0x4b: {  	_ =	shalt  }
0x4c: {  	_ =	shalt  }
0x4d: {  	_ =	shalt  }
0x4e: {  	_ =	shalt  }
0x4f: {  	_ =	shalt  }
0x50: {  	_ =	shalt  }
0x51: {  	_ =	shalt  }
0x52: {  	_ =	shalt  }
0x53: {  	_ =	shalt  }
0x54: {  	_ =	shalt  }
0x55: {  	_ =	shalt  }
0x56: {  	_ =	shalt  }
0x57: {  	_ =	shalt  }
0x58: {  	_ =	shalt  }
0x59: {  	_ =	shalt  }
0x5a: {  	_ =	shalt  }
0x5b: {  	_ =	shalt  }
0x5c: {  	_ =	shalt  }
0x5d: {  	_ =	shalt  }
0x5e: {  	_ =	shalt  }
0x5f: {  	_ =	shalt  }
0x60: {  	_ =	shalt  }
0x61: {  	_ =	shalt  }
0x62: {  	_ =	shalt  }
0x63: {  	_ =	shalt  }
0x64: {  	_ =	shalt  }
0x65: {  	_ =	shalt  }
0x66: {  	_ =	shalt  }
0x67: {  	_ =	shalt  }
0x68: {  	_ =	shalt  }
0x69: {  	_ =	shalt  }
0x6a: {  	_ =	shalt  }
0x6b: {  	_ =	shalt  }
0x6c: {  	_ =	shalt  }
0x6d: {  	_ =	shalt  }
0x6e: {  	_ =	shalt  }
0x6f: {  	_ =	shalt  }
0x70: {  	_ =	shalt  }
0x71: {  	_ =	shalt  }
0x72: {  	_ =	shalt  }
0x73: {  	_ =	shalt  }
0x74: {  	_ =	shalt  }
0x75: {  	_ =	shalt  }
0x76: {  	_ =	shalt  }
0x77: {  	_ =	shalt  }
0x78: {  	_ =	shalt  }
0x79: {  	_ =	shalt  }
0x7a: {  	_ =	shalt  }
0x7b: {  	_ =	shalt  }
0x7c: {  	_ =	shalt  }
0x7d: {  	_ =	shalt  }
0x7e: {  	_ =	shalt  }
0x7f: {  	_ =	shalt  }
0x80: {  	_ =	shalt  }
0x81: {  	_ =	shalt  }
0x82: {  	_ =	shalt  }
0x83: {  	_ =	shalt  }
0x84: {  	_ =	shalt  }
0x85: {  	_ =	shalt  }
0x86: {  	_ =	shalt  }
0x87: {  	_ =	shalt  }
.Lfunc_end0:
.L_simem_size_0:
called_computation.1_lowered:
.L_overlay_start_0:
0x88: {  	s2 =	sld [smem:$0x3FD9]  }
0x89: {  	s3 =	sld [smem:$0x3FFE];
	_ =	sdelay $0x1  }
0x8a: {  	s1 =	srdreg.scid  }
0x8b: {  	s0 =	sand.u32 $0x1, s1  }
0x8c: {  	s17 =	sshll.u32 s0, $0xA;
	s2 =	sadd.s32 s3, s2  }
0x8d: {  	s2 =	sadd.s32 s2, s17  }
0x8e: {  	[smem:$0x3FC3] =	sst s2  }
0x8f: {  	_ = 	snop  }
0x90: {  	s2 =	sld [smem:$0x3FD0];
	(tm) =	ssettm $0x1  }
0x91: {  	s18 =	sld [smem:$0x3FFB];
	_ =	sdelay $0x3  }
0x92: {  	_ =	strace s18  }
0x93: {  	s3 =	sld [smem:$0x3FFC];
	_ =	sdelay $0x3  }
0x94: {  	_ =	strace s3  }
0x95: {  	s3 =	sld [smem:$0x3FFD];
	_ =	sdelay $0x3  }
0x96: {  	_ =	strace s3  }
0x97: {  	_ =	strace $0x8FFFFFFF  }
0x98: {  	s19 =	sld [smem:$0x3FDB];
	_ =	sdelay $0x1  }
0x99: {  	s4 =	simm.s32 $_scs_section_size  }
0x9a: {  	s5 =	simm.s32 $_size__tile_overlayer_lowered;
	s6 =	simm.s32 $_tile_overlayer_lowered  }
0x9b: {  	s22 =	simm.s32 $0x1BFF;
	s21 =	sshll.u32 s6, $0x1;
	s3 =	sadd.s32 s4, s19  }
0x9c: {  	s7 =	simm.s32 $0x0;
	s20 =	sshll.u32 s5, $0x1;
	s5 =	sadd.s32 s21, s3  }
0x9d: {  	[timem:s7], [sflag:s22] =	dma.local [hbm:s5], s20  }
0x9e: {  	_ =	swait.ge [sflag:s22], s20  }
0x9f: {  	s4 =	ssub.s32 $0x0, s20;
	[sflag:s22] =	ssyncset.done $0x0  }
0xa0: {  	[sflag:s22] =	ssyncadd.s32 s4;
	_ =	sdelay $0x1  }
0xa1: {  	s23 =	simm.s32 $0x1B8B  }
0xa2: {  	_ =	swait.ge [sflag:s23], $0x1  }
0xa3: {  	[sflag:s23] =	ssyncset.done $0x0  }
0xa4: {  	s25 =	simm.s32 $0x1B8E;
	s24 =	sld [smem:$0x3FFE];
	[sflag:s23] =	ssyncadd.s32 $0xFFFFFFFF  }
0xa5: {  	s26 =	simm.s32 $execute0_lowered;
	[smem:$0x3FD2] =	sst s25  }
0xa6: {  	s5 =	sshll.u32 s26, $0x1;
	_ =	strace $0x80000049;
	[dreg:$0x1] =	wrdreg $0xFFFFFFFF  }
0xa7: {  	s28 =	simm.s32 $_size_execute0_lowered;
	s3 =	sadd.s32 s3, s5;
	[dreg:$0x0] =	wrdreg $0x0  }
0xa8: {  	s5 =	sshll.u32 s28, $0x1;
	[dreg:$0x2] =	wrdreg s3  }
0xa9: {  	[dreg:$0x3] =	wrdreg s5  }
0xaa: {  	[dreg:$0x4] =	wrdreg $0xC0  }
0xab: {  	_ =	task [dreg:s7], $0x5FFFF  }
0xac: {  	[dreg:$0x1] =	wrdreg $0xFFFFFFFF  }
0xad: {  	[dreg:$0x0] =	wrdreg $0x60  }
0xae: {  	[dreg:$0x2] =	wrdreg s24  }
0xaf: {  	[dreg:$0x3] =	wrdreg s2  }
0xb0: {  	[dreg:$0x4] =	wrdreg $0x9  }
0xb1: {  	_ =	task.clear_ibuf [dreg:s7], $0x5FFFF;
	_ =	strace $0x90000049  }
0xb2: {  	s29 =	simm.s32 $0x9;
	_ =	strace $0x8000004B  }
0xb3: {  	_ =	swait.ge [sflag:s29], $0x1  }
0xb4: {  	[sflag:s29] =	ssyncadd.s32 $0xFFFFFFFF  }
0xb5: {  	_ =	strace $0x9000004B  }
0xb6: {  	_ =	sfence  }
0xb7: {  	s30 =	sld [smem:$0x0];
	_ =	sdelay $0x2  }
0xb8: {  	s31 =	sshll.u32 s1, $0xD;
	s1 =	sshrl.u32 s1, $0x2  }
0xb9: {  	s3 =	sand.u32 $0x4000, s31;
	s1 =	sadd.s32 s1, s30  }
0xba: {  	s0 =	sor.u32 s3, s0;
	s1 =	sshll.u32 s1, $0x11  }
0xbb: {  	s0 =	sor.u32 s1, s0  }
0xbc: {  	s0 =	sadd.s32 $0x8F2B, s0  }
0xbd: {  	[sflag:s0] =	ssyncadd.remote.s32 $0x1  }
0xbe: {  	_ =	sfence.sel $0xFFFF  }
0xbf: {  	[dreg:$0x0] =	wrdreg $0xFFFFFFFF;
	(pc) =	sbr.abs _section_cstart, $3  }
0xc0: {  	[dreg:$0x1] =	wrdreg $0xFFFFFFFF  }
0xc1: {  	_ =	task.clear_ibuf [dreg:s7], $0x2FFFF;
	_ =	strace $0x9FFFFFFF  }
0xc2: {  	(tm) =	ssettm $0x7FFFFFFF  }
0xc3: {  	_ =	shalt  }
tec
execute0_lowered:
.L_overlay_start_1:
0x0: {  	(tag) =	ssettag $0x1  }
0x1: {  	s0 =	srdreg.scid;
	s4 =	rddreg [dreg:$0x0]  }
0x2: {  	s7 =	rddreg [dreg:$0x1];
	s2 =	simm.s32 $0x0;
	s11 =	simm.s32 $0x7800  }
0x3: {  	s12 =	simm.s32 $0x1;
	s13 =	simm.s32 $0x2;
	s3 =	sand.u32 $0x1, s0  }
0x4: {  	s14 =	simm.s32 $0x3;
	s0 =	stileid.u32;
	s1 =	sshll.u32 s3, $0x4  }
0x5: {  	s15 =	simm.s32 $0x4;
	s16 =	simm.s32 $0x7810;
	s1 =	sor.u32 s0, s1  }
0x6: {  	s17 =	simm.s32 $0x5;
	s18 =	simm.s32 $0x0;
	s5 =	smul.u32 $0x140, s1  }
0x7: {  	[smem:$0x7FF] =	sst s2;
	s6 =	ssub.s32 $0x2, s3;
	s3 =	sadd.s32 $0x28400, s4  }
0x8: {  	s31 =	sshrl.u32 s6, $0x1;
	s1 =	rddreg [dreg:$0x2];
	s8 =	smin.u32 s5, $0x25D0  }
0x9: {  	_ =	strace $0x8000004A;
	s5 =	sshll.u32 s8, $0x2;
	s8 =	sshll.u32 s8, $0x1  }
0xa: {  	s10 =	ssub.s32 s6, s31;
	s9 =	sadd.s32 s5, s4;
	s7 =	sadd.s32 s7, s8  }
0xb: {  	v0 =	vimm.bf16 $1.0000e+00;
	s8 =	smax.u32 s10, $0x1;
	s10 =	simm.s32 $0x5000;
	s4 =	sadd.s32 $0xA00, s9  }
0xc: {  	v1 =	vimm.bf16 $0.0e+00;
	v2 =	vimm.bf16 $3.0080e-01;
	s5 =	sadd.s32 $0x14400, s9;
	s6 =	sadd.s32 $0x1E400, s9;
	s9 =	simm.s32 $0x2800  }
.LBB2_1:
0xd: {  	[tilespmem:s2], [sflag:$0x1] =	stream.linear.gather [hbm4b:s4+s2], $0x2800, $0x38;
	[tilespmem:$0x8C10] =	vst v63  }
0xe: {  	_ = 	snop  }
0xf: {  	[tilespmem:s9], [sflag:$0x2] =	stream.linear.gather [hbm4b:s5+s2], $0x2800, $0x38;
	[tilespmem:$0x8C10] =	vst v63  }
0x10: {  	_ = 	snop  }
0x11: {  	[tilespmem:s10], [sflag:$0x3] =	stream.linear.gather [hbm4b:s6+s2], $0x2800, $0x38;
	[tilespmem:$0x8C10] =	vst v63  }
0x12: {  	_ = 	snop  }
0x13: {  	[tilespmem:s11], [sflag:$0x4] =	stream.linear.gather [hbm4b:s3+s2], $0x10, $0x38;
	[tilespmem:$0x8C10] =	vst v63  }
0x14: {  	_ =	swait.ge [sflag:s12], $0x2800  }
0x15: {  	[sflag:s12] =	ssyncset.done $0x0  }
0x16: {  	[sflag:s12] =	ssyncadd.s32 $0xFFFFD800  }
0x17: {  	_ =	swait.ge [sflag:s13], $0x2800  }
0x18: {  	[sflag:s13] =	ssyncset.done $0x0  }
0x19: {  	[sflag:s13] =	ssyncadd.s32 $0xFFFFD800  }
0x1a: {  	_ =	swait.ge [sflag:s14], $0x2800  }
0x1b: {  	[sflag:s14] =	ssyncset.done $0x0  }
0x1c: {  	[sflag:s14] =	ssyncadd.s32 $0xFFFFD800  }
0x1d: {  	_ =	swait.ge [sflag:s15], $0x10  }
0x1e: {  	[sflag:s15] =	ssyncset.done $0x0  }
0x1f: {  	s19 =	simm.s32 $0x0;
	[sflag:s15] =	ssyncadd.s32 $0xFFFFFFF0  }
0x20: {  	v3 =	vld [tilespmem:s19+$0x5010]  }
0x21: {  	v4 =	vld [tilespmem:s19+$0x2810];
	_ =	sdelay $0x4  }
0x22: {  	v3 =	vadd.bf16 v3, v4;
	_ =	sdelay $0x1  }
0x23: {  	v4 =	vmax.bf16 v3, v0  }
0x24: {  	(erf) = vrcp.bf16 v4  }
0x25: {  	v5 =	vld [tilespmem:s19+$0x2800]  }
0x26: {  	v6 =	vld [tilespmem:$0x7800]  }
0x27: {  	v7 =	vld [tilespmem:s19+$0x0]  }
0x28: {  	v4 =	vld [tilespmem:s19+$0x5000];
	_ =	sdelay $0x4  }
0x29: {  	v6 =	vadd.bf16 v6, v7;
	v4 =	vadd.bf16 v4, v5  }
0x2a: {  	v3 =	vmin.bf16 v3, v0;
	v5 =	vpop (erf)  }
0x2b: {  	v3 =	vmul.bf16 v3, v6;
	v4 =	vmul.bf16 v5, v4;
	_ =	sdelay $0x1  }
0x2c: {  	v3 =	vadd.bf16 v4, v3;
	_ =	sdelay $0x1  }
0x2d: {  	v4 =	vmin.bf16 v3, v1  }
0x2e: {  	v4 =	vmul.bf16 v2, v4  }
0x2f: {  	v3 =	vmax.bf16 v3, v1  }
0x30: {  	v3 =	vadd.bf16 v4, v3;
	_ =	sdelay $0x1  }
0x31: {  	s21 =	simm.s32 $0x20;
	[tilespmem:s16+$0x0] =	vst v3  }
0x32: {  	s20 =	simm.s32 $0x100;
	s19 =	simm.s32 $0x7810;
	v3 =	vld [tilespmem:s21+$0x5010]  }
.LBB2_2:
0x33: {  	p0 =	sne.s32 s20, $0x9F80;
	v4 =	vld [tilespmem:s21+$0x2810];
	_ =	sdelay $0x4  }
0x34: {  	v3 =	vadd.bf16 v3, v4;
	_ =	sdelay $0x1  }
0x35: {  	v4 =	vmax.bf16 v3, v0  }
0x36: {  	(erf) = vrcp.bf16 v4  }
0x37: {  	v4 =	vld [tilespmem:s21+$0x5000]  }
0x38: {  	v5 =	vld [tilespmem:s21+$0x2800]  }
0x39: {  	v6 =	vld [tilespmem:$0x7800]  }
0x3a: {  	v7 =	vld [tilespmem:s21+$0x0];
	_ =	sdelay $0x4  }
0x3b: {  	v4 =	vadd.bf16 v4, v5;
	v6 =	vadd.bf16 v6, v7  }
0x3c: {  	v3 =	vmin.bf16 v3, v0;
	v5 =	vpop (erf)  }
0x3d: {  	v3 =	vmul.bf16 v3, v6;
	v4 =	vmul.bf16 v5, v4;
	_ =	sdelay $0x1  }
0x3e: {  	v3 =	vadd.bf16 v4, v3;
	_ =	sdelay $0x1  }
0x3f: {  	v4 =	vmin.bf16 v3, v1  }
0x40: {  	v4 =	vmul.bf16 v2, v4  }
.Ltmp0:
0x41: {  	v3 =	vmax.bf16 v3, v1;
	(pc) =	sbr.rel @p0 .LBB2_2-.Ltmp0, $4  }
0x42: {  	v3 =	vadd.bf16 v4, v3  }
0x43: {  	s19 =	sadd.s32 $0x10, s19  }
0x44: {  	s21 =	sshra.s32 s20, $0x2;
	[tilespmem:s19+$0x0] =	vst v3  }
0x45: {  	s20 =	sadd.s32 $0x80, s20;
	v3 =	vld [tilespmem:s21+$0x5010]  }
0x46: {  	v4 =	vld [tilespmem:s21+$0x2810];
	_ =	sdelay $0x4  }
0x47: {  	v3 =	vadd.bf16 v3, v4;
	_ =	sdelay $0x1  }
0x48: {  	v4 =	vmax.bf16 v3, v0  }
0x49: {  	(erf) = vrcp.bf16 v4  }
0x4a: {  	v62 =	vld [tilespmem:s21+$0x5000]  }
0x4b: {  	v5 =	vld [tilespmem:s21+$0x2800]  }
0x4c: {  	v6 =	vld [tilespmem:$0x7800]  }
0x4d: {  	v7 =	vld [tilespmem:s21+$0x0];
	_ =	sdelay $0x4  }
0x4e: {  	v6 =	vadd.bf16 v6, v7;
	v4 =	vadd.bf16 v62, v5  }
0x4f: {  	v3 =	vmin.bf16 v3, v0;
	v63 =	vpop (erf)  }
0x50: {  	v3 =	vmul.bf16 v3, v6;
	v4 =	vmul.bf16 v63, v4;
	_ =	sdelay $0x1  }
0x51: {  	v3 =	vadd.bf16 v4, v3;
	_ =	sdelay $0x1  }
0x52: {  	v4 =	vmin.bf16 v3, v1  }
0x53: {  	v4 =	vmul.bf16 v2, v4  }
0x54: {  	v3 =	vmax.bf16 v3, v1  }
0x55: {  	s18 =	sadd.s32 $0x1, s18;
	v3 =	vadd.bf16 v4, v3  }
0x56: {  	s19 =	sadd.s32 $0x10, s19;
	p0 =	sne.s32 s18, s8  }
.Ltmp1:
0x57: {  	[tilespmem:s19+$0x0] =	vst v3;
	(pc) =	sbr.rel @p0 .LBB2_1-.Ltmp1, $4  }
0x58: {  	[hbm4b:s7+s2] =	stream.linear.scatter [tilespmem:s16], [sflag:$0x5], $0x1400, $0x38;
	[tilespmem:$0x8C10] =	vst v63  }
0x59: {  	_ =	swait.ge [sflag:s17], $0x1400  }
0x5a: {  	[sflag:s17] =	ssyncset.done $0x0  }
0x5b: {  	[sflag:s17] =	ssyncadd.s32 $0xFFFFEC00  }
0x5c: {  	_ =	sfence.sel $0x180000  }
0x5d: {  	[bflag:$0x0] =	sbarrier.arrive $0xFFFF  }
0x5e: {  	p0 =	sne.s32 s0, $0x0;
	_ =	strace $0x9000004A  }
0x5f: {  	s0 =	sadd.s32 @!p0 $0x100000, s1;
	[bflag:$0x2] =	sbarrier.arrive $0xFFFF  }
0x60: {  	[sflag:s0] =	ssyncadd.tile.s32 @!p0 $0x1;
	_ =	shalt  }
.Lfunc_end2:
_tile_overlayer_lowered:
.L_overlay_start_2:
0x61: {  	(tag) =	ssettag $0x2  }
0x62: {  	s0 =	rddreg [dreg:$0x0];
	s2 =	stileid.u32  }
0x63: {  	s1 =	rddreg [dreg:$0x1];
	p0 =	sne.s32 s2, $0x0  }
0x64: {  	s3 =	rddreg [dreg:$0x2];
	[bflag:$0x3] =	sbarrier.arrive $0xFFFF;
	s2 =	simm.s32 @!p0 $0x1C05  }
0x65: {  	[timem:s3], [sflag:s2] =	dma.local @!p0 [hbm:s0], s1  }
0x66: {  	s0 =	simm.s32 @!p0 $0x5  }
0x67: {  	_ =	swait.ge @!p0 [sflag:s0], s1  }
0x68: {  	s1 =	ssub.s32 @!p0 $0x0, s1;
	[sflag:s0] =	ssyncset.done @!p0 $0x0  }
0x69: {  	[sflag:s0] =	ssyncadd.s32 @!p0 s1  }
0x6a: {  	[bflag:$0x3] =	sbarrier.arrive $0xFFFF  }
0x6b: {  	_ =	shalt  }

</sc_bundles>
